<compile_context>
chip_gen: v7x
topology: tpu7x:2x2x1
jax: 0.10.2.dev20260603
libtpu: 0.0.44.dev20260713+nightly
codegen_flags: <defaults>
</compile_context>

<pallas_src>
import functools

import jax
import jax.numpy as jnp
from jax import lax
from jax.experimental import pallas as pl
from jax.experimental.pallas import tpu as pltpu
from jax.experimental.pallas import tpu_sc as plsc

VOCAB = 100000
D = 128
B = 4096
EPS = 1e-05

NC = 2
NS = 16
L = 16
NW = NC * NS
BPW = B // NW
NVR = D // L

_mesh = plsc.VectorSubcoreMesh(
    core_axis_name="c", subcore_axis_name="s", num_cores=NC, num_subcores=NS
)


@functools.partial(
    pl.kernel,
    out_type=jax.ShapeDtypeStruct((B, D), jnp.float32),
    mesh=_mesh,
    scratch_types=[
        pltpu.VMEM((BPW,), jnp.int32),
        pltpu.VMEM((BPW, D), jnp.float32),
        pltpu.VMEM((D,), jnp.float32),
        pltpu.VMEM((D,), jnp.float32),
        [pltpu.SemaphoreType.DMA] * 4,
        [pltpu.SemaphoreType.DMA] * 4,
    ],
)
def _emb_ln_sc(idx_hbm, table_hbm, w_hbm, b_hbm, out_hbm,
               idx_v, rows_v, w_v, b_v, gsems, osems):
    wid = lax.axis_index("s") * NC + lax.axis_index("c")
    base = wid * BPW

    pltpu.sync_copy(idx_hbm.at[pl.ds(base, BPW)], idx_v)
    pltpu.sync_copy(w_hbm, w_v)
    pltpu.sync_copy(b_hbm, b_v)

    wv = [w_v[pl.ds(j * L, L)] for j in range(NVR)]
    bv = [b_v[pl.ds(j * L, L)] for j in range(NVR)]

    inv_d = jnp.float32(1.0 / D)
    perms = [(jnp.arange(L, dtype=jnp.int32) ^ k)[:, None] for k in (1, 2, 4, 8)]
    _dnums = lax.GatherDimensionNumbers(
        offset_dims=(), collapsed_slice_dims=(0,), start_index_map=(0,))

    def xlane_sum(t):
        for p in perms:
            t = t + lax.gather(
                t, p, _dnums, slice_sizes=(1,),
                mode=lax.GatherScatterMode.PROMISE_IN_BOUNDS)
        return t

    def splat(t, k):
        idxk = jnp.full((L, 1), k, dtype=jnp.int32)
        return lax.gather(t, idxk, _dnums, slice_sizes=(1,),
                          mode=lax.GatherScatterMode.PROMISE_IN_BOUNDS)

    ROWS_PER_IT = 4
    onehots = [jnp.arange(L, dtype=jnp.int32) == k for k in range(ROWS_PER_IT)]

    def rows_block(r0):
        xs, sts, qts = [], [], []
        for k in range(ROWS_PER_IT):
            r = r0 + k
            x = [rows_v[r, pl.ds(j * L, L)] for j in range(NVR)]
            s = x[0]
            q = x[0] * x[0]
            for j in range(1, NVR):
                s = s + x[j]
                q = q + x[j] * x[j]
            xs.append(x)
            sts.append(xlane_sum(s))
            qts.append(xlane_sum(q))
        ts = sts[0]
        tq = qts[0]
        for k in range(1, ROWS_PER_IT):
            ts = jnp.where(onehots[k], sts[k], ts)
            tq = jnp.where(onehots[k], qts[k], tq)
        mean4 = ts * inv_d
        v = tq * inv_d - mean4 * mean4 + jnp.float32(EPS)
        iv = lax.bitcast_convert_type(v, jnp.int32)
        y = lax.bitcast_convert_type(
            jnp.int32(0x5F3759DF) - lax.shift_right_arithmetic(iv, 1),
            jnp.float32)
        half_v = jnp.float32(0.5) * v
        for _ in range(2):
            y = y * (jnp.float32(1.5) - half_v * y * y)
        for k in range(ROWS_PER_IT):
            mean_k = splat(mean4, k)
            y_k = splat(y, k)
            for j in range(NVR):
                rows_v[r0 + k, pl.ds(j * L, L)] = (
                    (xs[k][j] - mean_k) * y_k * wv[j] + bv[j])

    NCH = 2
    CH = BPW // NCH

    def gather_chunk(c):
        return pltpu.async_copy(
            table_hbm.at[idx_v.at[pl.ds(c * CH, CH)]],
            rows_v.at[pl.ds(c * CH, CH)], gsems[c])

    handles = [None] * NCH
    handles[0] = gather_chunk(0)
    for c in range(NCH):
        if c + 1 < NCH:
            handles[c + 1] = gather_chunk(c + 1)
        handles[c].wait()

        def chunk_body(i, carry, _c=c):
            rows_block(_c * CH + i * ROWS_PER_IT)
            return carry

        lax.fori_loop(0, CH // ROWS_PER_IT, chunk_body, jnp.int32(0))

        pltpu.async_copy(rows_v.at[pl.ds(c * CH, CH)],
                         out_hbm.at[pl.ds(base + c * CH, CH)], osems[c])
    for c in range(NCH):
        pltpu.make_async_copy(rows_v.at[pl.ds(c * CH, CH)],
                              out_hbm.at[pl.ds(base + c * CH, CH)],
                              osems[c]).wait()


def kernel(input_ids, emb_table, ln0_weight, ln0_bias):
    idx = input_ids.reshape(B).astype(jnp.int32)
    return _emb_ln_sc(idx, emb_table, ln0_weight, ln0_bias)

# --- scband reference (transcript-rebuilt; emitter-appended) ---
"""Pipeline reference for scband-embedding-6236292514467 (READ-ONLY COPY).

The authoritative reference and input builder live on the scoring server;
editing this copy changes nothing except your own understanding.
"""

import jax, jax.numpy as jnp
import numpy as np

VOCAB = 100000
EMBED_DIM = 128
BATCH = 4096
EPS = 1e-05


def manual_layer_norm(x, weight, bias, eps):
    mean = jnp.mean(x, axis=-1, keepdims=True)
    var = jnp.mean((x - mean) ** 2, axis=-1, keepdims=True)
    x_norm = (x - mean) / jnp.sqrt(var + eps)
    return x_norm * weight + bias


def setup_inputs(seed: int = 0) -> dict:
    key = jax.random.key(seed)
    k1, k2 = jax.random.split(key, 2)
    input_ids = jax.random.randint(k1, (BATCH, 1), 0, VOCAB, dtype=jnp.int64 if jax.config.jax_enable_x64 else jnp.int32)
    emb_table = jax.random.normal(k2, (VOCAB, EMBED_DIM), dtype=jnp.float32) * 0.02
    ln0_weight = jnp.ones((EMBED_DIM,), dtype=jnp.float32)
    ln0_bias = jnp.zeros((EMBED_DIM,), dtype=jnp.float32)
    return {"input_ids": input_ids, "emb_table": emb_table, "ln0_weight": ln0_weight, "ln0_bias": ln0_bias}


def reference(input_ids, emb_table, ln0_weight, ln0_bias):
    # emb_out = origin_model.emb(input_ids).squeeze(1)
    emb_out = jnp.take(emb_table, input_ids, axis=0)  # [B, 1, D]
    emb_out = jnp.squeeze(emb_out, axis=1)            # [B, D]
    # ln_out = manual_layer_norm(emb_out, ln0_weight, ln0_bias, 1e-05)
    ln_out = manual_layer_norm(emb_out, ln0_weight, ln0_bias, EPS)
    return ln_out

if __name__ == "__main__":
    import jax
    _d = setup_inputs()
    print(jax.jit(kernel)(*tuple(_d.values())))

</pallas_src>

<mosaic_0001>
#map = affine_map<(d0, d1) -> (0)>
#map1 = affine_map<(d0, d1) -> (0, 0)>
module attributes {stable_mosaic.version = 14 : i64} {
  func.func @_emb_ln_sc(%arg0: i32, %arg1: i32, %arg2: memref<4096xi32, #tpu.memory_space<hbm>>, %arg3: memref<100000x128xf32, #tpu.memory_space<hbm>>, %arg4: memref<128xf32, #tpu.memory_space<hbm>>, %arg5: memref<128xf32, #tpu.memory_space<hbm>>, %arg6: memref<4096x128xf32, #tpu.memory_space<hbm>>, %arg7: memref<128xi32, #tpu.memory_space<vmem>>, %arg8: memref<128x128xf32, #tpu.memory_space<vmem>>, %arg9: memref<128xf32, #tpu.memory_space<vmem>>, %arg10: memref<128xf32, #tpu.memory_space<vmem>>, %arg11: memref<!tpu.dma_semaphore, #tpu.memory_space<semaphore_mem>>, %arg12: memref<!tpu.dma_semaphore, #tpu.memory_space<semaphore_mem>>, %arg13: memref<!tpu.dma_semaphore, #tpu.memory_space<semaphore_mem>>, %arg14: memref<!tpu.dma_semaphore, #tpu.memory_space<semaphore_mem>>, %arg15: memref<!tpu.dma_semaphore, #tpu.memory_space<semaphore_mem>>, %arg16: memref<!tpu.dma_semaphore, #tpu.memory_space<semaphore_mem>>, %arg17: memref<!tpu.dma_semaphore, #tpu.memory_space<semaphore_mem>>, %arg18: memref<!tpu.dma_semaphore, #tpu.memory_space<semaphore_mem>>) attributes {dimension_semantics = [#tpu.dimension_semantics<core_parallel>, #tpu.dimension_semantics<subcore_parallel>], iteration_bounds = array<i64: 2, 16>, scalar_prefetch = 0 : i64, scratch_operands = 12 : i64, tpu.core_type = #tpu.core_type<sc_vector_subcore>, window_params = [{transform_indices = #map}, {transform_indices = #map1}, {transform_indices = #map}, {transform_indices = #map}, {transform_indices = #map1}]} {
    %mul3A = arith.constant 2 : i32
    %mul3A_0 = arith.muli %arg1, %mul3A : i32
    %add3A = arith.addi %mul3A_0, %arg0 : i32
    %mul3A_1 = arith.constant 128 : i32
    %mul3A_2 = arith.muli %add3A, %mul3A_1 : i32
    "tpu.region"() ({
      %run_scoped3A = tpu.sem_alloc : memref<!tpu.dma_semaphore, #tpu.memory_space<semaphore_mem>>
      %dma_start3A_173 = tpu.memref_slice %arg2[%mul3A_2] : memref<4096xi32, #tpu.memory_space<hbm>> -> memref<128xi32, #tpu.memory_space<hbm>>
      %dma_start3A_174 = tpu.memref_slice %arg2[%mul3A_2] : memref<4096xi32, #tpu.memory_space<hbm>> -> memref<128xi32, #tpu.memory_space<hbm>>
      tpu.enqueue_dma source(%dma_start3A_174 : memref<128xi32, #tpu.memory_space<hbm>>) target(%arg7 : memref<128xi32, #tpu.memory_space<vmem>>) target_semaphore(%run_scoped3A : memref<!tpu.dma_semaphore, #tpu.memory_space<semaphore_mem>>)
      %dma_wait3A_175 = tpu.memref_slice %arg2[%mul3A_2] : memref<4096xi32, #tpu.memory_space<hbm>> -> memref<128xi32, #tpu.memory_space<hbm>>
      %dma_wait3A_176 = tpu.memref_slice %arg2[%mul3A_2] : memref<4096xi32, #tpu.memory_space<hbm>> -> memref<128xi32, #tpu.memory_space<hbm>>
      tpu.wait_dma2 semaphore(%run_scoped3A : memref<!tpu.dma_semaphore, #tpu.memory_space<semaphore_mem>>) src(%dma_wait3A_176 : memref<128xi32, #tpu.memory_space<hbm>>) dst(%arg7 : memref<128xi32, #tpu.memory_space<vmem>>)
      tpu.yield
    }) : () -> ()
    "tpu.region"() ({
      %run_scoped3A = tpu.sem_alloc : memref<!tpu.dma_semaphore, #tpu.memory_space<semaphore_mem>>
      tpu.enqueue_dma source(%arg4 : memref<128xf32, #tpu.memory_space<hbm>>) target(%arg9 : memref<128xf32, #tpu.memory_space<vmem>>) target_semaphore(%run_scoped3A : memref<!tpu.dma_semaphore, #tpu.memory_space<semaphore_mem>>)
      tpu.wait_dma2 semaphore(%run_scoped3A : memref<!tpu.dma_semaphore, #tpu.memory_space<semaphore_mem>>) src(%arg4 : memref<128xf32, #tpu.memory_space<hbm>>) dst(%arg9 : memref<128xf32, #tpu.memory_space<vmem>>)
      tpu.yield
    }) : () -> ()
    "tpu.region"() ({
      %run_scoped3A = tpu.sem_alloc : memref<!tpu.dma_semaphore, #tpu.memory_space<semaphore_mem>>
      tpu.enqueue_dma source(%arg5 : memref<128xf32, #tpu.memory_space<hbm>>) target(%arg10 : memref<128xf32, #tpu.memory_space<vmem>>) target_semaphore(%run_scoped3A : memref<!tpu.dma_semaphore, #tpu.memory_space<semaphore_mem>>)
      tpu.wait_dma2 semaphore(%run_scoped3A : memref<!tpu.dma_semaphore, #tpu.memory_space<semaphore_mem>>) src(%arg5 : memref<128xf32, #tpu.memory_space<hbm>>) dst(%arg10 : memref<128xf32, #tpu.memory_space<vmem>>)
      tpu.yield
    }) : () -> ()
    %get3A = arith.constant 0 : index
    %get3A_3 = tpu.vector_load %arg9[%get3A] {strides = array<i32>} : memref<128xf32, #tpu.memory_space<vmem>>, vector<16xf32>,
    %get3A_4 = vector.shape_cast %get3A_3 : vector<16xf32> to vector<16xf32>
    %get3A_5 = arith.constant 16 : index
    %get3A_6 = tpu.vector_load %arg9[%get3A_5] {strides = array<i32>} : memref<128xf32, #tpu.memory_space<vmem>>, vector<16xf32>,
    %get3A_7 = vector.shape_cast %get3A_6 : vector<16xf32> to vector<16xf32>
    %get3A_8 = arith.constant 32 : index
    %get3A_9 = tpu.vector_load %arg9[%get3A_8] {strides = array<i32>} : memref<128xf32, #tpu.memory_space<vmem>>, vector<16xf32>,
    %get3A_10 = vector.shape_cast %get3A_9 : vector<16xf32> to vector<16xf32>
    %get3A_11 = arith.constant 48 : index
    %get3A_12 = tpu.vector_load %arg9[%get3A_11] {strides = array<i32>} : memref<128xf32, #tpu.memory_space<vmem>>, vector<16xf32>,
    %get3A_13 = vector.shape_cast %get3A_12 : vector<16xf32> to vector<16xf32>
    %get3A_14 = arith.constant 64 : index
    %get3A_15 = tpu.vector_load %arg9[%get3A_14] {strides = array<i32>} : memref<128xf32, #tpu.memory_space<vmem>>, vector<16xf32>,
    %get3A_16 = vector.shape_cast %get3A_15 : vector<16xf32> to vector<16xf32>
    %get3A_17 = arith.constant 80 : index
    %get3A_18 = tpu.vector_load %arg9[%get3A_17] {strides = array<i32>} : memref<128xf32, #tpu.memory_space<vmem>>, vector<16xf32>,
    %get3A_19 = vector.shape_cast %get3A_18 : vector<16xf32> to vector<16xf32>
    %get3A_20 = arith.constant 96 : index
    %get3A_21 = tpu.vector_load %arg9[%get3A_20] {strides = array<i32>} : memref<128xf32, #tpu.memory_space<vmem>>, vector<16xf32>,
    %get3A_22 = vector.shape_cast %get3A_21 : vector<16xf32> to vector<16xf32>
    %get3A_23 = arith.constant 112 : index
    %get3A_24 = tpu.vector_load %arg9[%get3A_23] {strides = array<i32>} : memref<128xf32, #tpu.memory_space<vmem>>, vector<16xf32>,
    %get3A_25 = vector.shape_cast %get3A_24 : vector<16xf32> to vector<16xf32>
    %get3A_26 = arith.constant 0 : index
    %get3A_27 = tpu.vector_load %arg10[%get3A_26] {strides = array<i32>} : memref<128xf32, #tpu.memory_space<vmem>>, vector<16xf32>,
    %get3A_28 = vector.shape_cast %get3A_27 : vector<16xf32> to vector<16xf32>
    %get3A_29 = arith.constant 16 : index
    %get3A_30 = tpu.vector_load %arg10[%get3A_29] {strides = array<i32>} : memref<128xf32, #tpu.memory_space<vmem>>, vector<16xf32>,
    %get3A_31 = vector.shape_cast %get3A_30 : vector<16xf32> to vector<16xf32>
    %get3A_32 = arith.constant 32 : index
    %get3A_33 = tpu.vector_load %arg10[%get3A_32] {strides = array<i32>} : memref<128xf32, #tpu.memory_space<vmem>>, vector<16xf32>,
    %get3A_34 = vector.shape_cast %get3A_33 : vector<16xf32> to vector<16xf32>
    %get3A_35 = arith.constant 48 : index
    %get3A_36 = tpu.vector_load %arg10[%get3A_35] {strides = array<i32>} : memref<128xf32, #tpu.memory_space<vmem>>, vector<16xf32>,
    %get3A_37 = vector.shape_cast %get3A_36 : vector<16xf32> to vector<16xf32>
    %get3A_38 = arith.constant 64 : index
    %get3A_39 = tpu.vector_load %arg10[%get3A_38] {strides = array<i32>} : memref<128xf32, #tpu.memory_space<vmem>>, vector<16xf32>,
    %get3A_40 = vector.shape_cast %get3A_39 : vector<16xf32> to vector<16xf32>
    %get3A_41 = arith.constant 80 : index
    %get3A_42 = tpu.vector_load %arg10[%get3A_41] {strides = array<i32>} : memref<128xf32, #tpu.memory_space<vmem>>, vector<16xf32>,
    %get3A_43 = vector.shape_cast %get3A_42 : vector<16xf32> to vector<16xf32>
    %get3A_44 = arith.constant 96 : index
    %get3A_45 = tpu.vector_load %arg10[%get3A_44] {strides = array<i32>} : memref<128xf32, #tpu.memory_space<vmem>>, vector<16xf32>,
    %get3A_46 = vector.shape_cast %get3A_45 : vector<16xf32> to vector<16xf32>
    %get3A_47 = arith.constant 112 : index
    %get3A_48 = tpu.vector_load %arg10[%get3A_47] {strides = array<i32>} : memref<128xf32, #tpu.memory_space<vmem>>, vector<16xf32>,
    %get3A_49 = vector.shape_cast %get3A_48 : vector<16xf32> to vector<16xf32>
    %iota3A = tpu.iota {dimensions = array<i32: 0>} : vector<16xi32>
    %xor3A = arith.constant 1 : i32
    %xor3A_50 = vector.broadcast %xor3A : i32 to vector<16xi32>
    %xor3A_51 = arith.xori %iota3A, %xor3A_50 : vector<16xi32>
    %broadcast_in_dim3A = vector.shape_cast %xor3A_51 : vector<16xi32> to vector<16x1xi32>
    %iota3A_52 = tpu.iota {dimensions = array<i32: 0>} : vector<16xi32>
    %xor3A_53 = arith.constant 2 : i32
    %xor3A_54 = vector.broadcast %xor3A_53 : i32 to vector<16xi32>
    %xor3A_55 = arith.xori %iota3A_52, %xor3A_54 : vector<16xi32>
    %broadcast_in_dim3A_56 = vector.shape_cast %xor3A_55 : vector<16xi32> to vector<16x1xi32>
    %iota3A_57 = tpu.iota {dimensions = array<i32: 0>} : vector<16xi32>
    %xor3A_58 = arith.constant 4 : i32
    %xor3A_59 = vector.broadcast %xor3A_58 : i32 to vector<16xi32>
    %xor3A_60 = arith.xori %iota3A_57, %xor3A_59 : vector<16xi32>
    %broadcast_in_dim3A_61 = vector.shape_cast %xor3A_60 : vector<16xi32> to vector<16x1xi32>
    %iota3A_62 = tpu.iota {dimensions = array<i32: 0>} : vector<16xi32>
    %xor3A_63 = arith.constant 8 : i32
    %xor3A_64 = vector.broadcast %xor3A_63 : i32 to vector<16xi32>
    %xor3A_65 = arith.xori %iota3A_62, %xor3A_64 : vector<16xi32>
    %broadcast_in_dim3A_66 = vector.shape_cast %xor3A_65 : vector<16xi32> to vector<16x1xi32>
    %iota3A_67 = tpu.iota {dimensions = array<i32: 0>} : vector<16xi32>
    %eq3A = arith.constant 0 : i32
    %eq3A_68 = vector.broadcast %eq3A : i32 to vector<16xi32>
    %eq3A_69 = arith.cmpi eq, %iota3A_67, %eq3A_68 : vector<16xi32>
    %iota3A_70 = tpu.iota {dimensions = array<i32: 0>} : vector<16xi32>
    %eq3A_71 = arith.constant 1 : i32
    %eq3A_72 = vector.broadcast %eq3A_71 : i32 to vector<16xi32>
    %eq3A_73 = arith.cmpi eq, %iota3A_70, %eq3A_72 : vector<16xi32>
    %iota3A_74 = tpu.iota {dimensions = array<i32: 0>} : vector<16xi32>
    %eq3A_75 = arith.constant 2 : i32
    %eq3A_76 = vector.broadcast %eq3A_75 : i32 to vector<16xi32>
    %eq3A_77 = arith.cmpi eq, %iota3A_74, %eq3A_76 : vector<16xi32>
    %iota3A_78 = tpu.iota {dimensions = array<i32: 0>} : vector<16xi32>
    %eq3A_79 = arith.constant 3 : i32
    %eq3A_80 = vector.broadcast %eq3A_79 : i32 to vector<16xi32>
    %eq3A_81 = arith.cmpi eq, %iota3A_78, %eq3A_80 : vector<16xi32>
    %dma_start3A = arith.constant 0 : i32
    %dma_start3A_82 = arith.constant 0 : i32
    %dma_start3A_83 = tpu.memref_slice %arg8[%dma_start3A, %dma_start3A_82] : memref<128x128xf32, #tpu.memory_space<vmem>> -> memref<64x128xf32, #tpu.memory_space<vmem>>
    %dma_start3A_84 = arith.constant 0 : i32
    %dma_start3A_85 = tpu.memref_slice %arg7[%dma_start3A_84] : memref<128xi32, #tpu.memory_space<vmem>> -> memref<64xi32, #tpu.memory_space<vmem>>
    %dma_start3A_86 = arith.constant 0 : i32
    %dma_start3A_87 = arith.constant 0 : i32
    %dma_start3A_88 = tpu.memref_slice %arg3[%dma_start3A_86, %dma_start3A_87] : memref<100000x128xf32, #tpu.memory_space<hbm>> -> memref<100000x128xf32, #tpu.memory_space<hbm>>
    tpu.enqueue_indirect_dma source(%dma_start3A_88 : memref<100000x128xf32, #tpu.memory_space<hbm>>) target(%dma_start3A_83 : memref<64x128xf32, #tpu.memory_space<vmem>>) offsets(%dma_start3A_85 : memref<64xi32, #tpu.memory_space<vmem>>) semaphore(%arg11 : memref<!tpu.dma_semaphore, #tpu.memory_space<semaphore_mem>>)
    %dma_start3A_89 = arith.constant 64 : i32
    %dma_start3A_90 = arith.constant 0 : i32
    %dma_start3A_91 = tpu.memref_slice %arg8[%dma_start3A_89, %dma_start3A_90] : memref<128x128xf32, #tpu.memory_space<vmem>> -> memref<64x128xf32, #tpu.memory_space<vmem>>
    %dma_start3A_92 = arith.constant 64 : i32
    %dma_start3A_93 = tpu.memref_slice %arg7[%dma_start3A_92] : memref<128xi32, #tpu.memory_space<vmem>> -> memref<64xi32, #tpu.memory_space<vmem>>
    %dma_start3A_94 = arith.constant 0 : i32
    %dma_start3A_95 = arith.constant 0 : i32
    %dma_start3A_96 = tpu.memref_slice %arg3[%dma_start3A_94, %dma_start3A_95] : memref<100000x128xf32, #tpu.memory_space<hbm>> -> memref<100000x128xf32, #tpu.memory_space<hbm>>
    tpu.enqueue_indirect_dma source(%dma_start3A_96 : memref<100000x128xf32, #tpu.memory_space<hbm>>) target(%dma_start3A_91 : memref<64x128xf32, #tpu.memory_space<vmem>>) offsets(%dma_start3A_93 : memref<64xi32, #tpu.memory_space<vmem>>) semaphore(%arg12 : memref<!tpu.dma_semaphore, #tpu.memory_space<semaphore_mem>>)
    %dma_wait3A = arith.constant 0 : i32
    %dma_wait3A_97 = arith.constant 0 : i32
    %dma_wait3A_98 = tpu.memref_slice %arg8[%dma_wait3A, %dma_wait3A_97] : memref<128x128xf32, #tpu.memory_space<vmem>> -> memref<64x128xf32, #tpu.memory_space<vmem>>
    %dma_wait3A_99 = arith.constant 0 : i32
    %dma_wait3A_100 = tpu.memref_slice %arg7[%dma_wait3A_99] : memref<128xi32, #tpu.memory_space<vmem>> -> memref<64xi32, #tpu.memory_space<vmem>>
    %dma_wait3A_101 = arith.constant 0 : i32
    %dma_wait3A_102 = arith.constant 0 : i32
    %dma_wait3A_103 = tpu.memref_slice %arg3[%dma_wait3A_101, %dma_wait3A_102] : memref<100000x128xf32, #tpu.memory_space<hbm>> -> memref<100000x128xf32, #tpu.memory_space<hbm>>
    tpu.wait_indirect_dma semaphore(%arg11 : memref<!tpu.dma_semaphore, #tpu.memory_space<semaphore_mem>>) src(%dma_wait3A_103 : memref<100000x128xf32, #tpu.memory_space<hbm>>) dst(%dma_wait3A_98 : memref<64x128xf32, #tpu.memory_space<vmem>>)
    %scan3A = arith.constant 0 : i32
    %scan3A_104 = arith.constant 7.812500e-03 : f32
    %scan3A_105 = arith.constant 0 : i32
    %scan3A_106 = arith.constant 16 : i32
    %scan3A_107 = arith.addi %scan3A_105, %scan3A_106 : i32
    %scan3A_108 = arith.constant 1 : i32
    scf.for %scan3A_173 = %scan3A_105 to %scan3A_107 step %scan3A_108  : i32 {
      %mul3A_174 = arith.constant 4 : i32
      %mul3A_175 = arith.muli %scan3A_173, %mul3A_174 : i32
      %add3A_176 = arith.constant 0 : i32
      %add3A_177 = arith.addi %add3A_176, %mul3A_175 : i32
      %add3A_178 = arith.constant 0 : i32
      %add3A_179 = arith.addi %add3A_177, %add3A_178 : i32
      %get3A_180 = arith.index_cast %add3A_179 : i32 to index
      %get3A_181 = arith.constant 0 : index
      %get3A_182 = tpu.vector_load %arg8[%get3A_180, %get3A_181] {strides = array<i32>} : memref<128x128xf32, #tpu.memory_space<vmem>>, vector<1x16xf32>,
      %get3A_183 = vector.shape_cast %get3A_182 : vector<1x16xf32> to vector<16xf32>
      %get3A_184 = arith.index_cast %add3A_179 : i32 to index
      %get3A_185 = arith.constant 16 : index
      %get3A_186 = tpu.vector_load %arg8[%get3A_184, %get3A_185] {strides = array<i32>} : memref<128x128xf32, #tpu.memory_space<vmem>>, vector<1x16xf32>,
      %get3A_187 = vector.shape_cast %get3A_186 : vector<1x16xf32> to vector<16xf32>
      %get3A_188 = arith.index_cast %add3A_179 : i32 to index
      %get3A_189 = arith.constant 32 : index
      %get3A_190 = tpu.vector_load %arg8[%get3A_188, %get3A_189] {strides = array<i32>} : memref<128x128xf32, #tpu.memory_space<vmem>>, vector<1x16xf32>,
      %get3A_191 = vector.shape_cast %get3A_190 : vector<1x16xf32> to vector<16xf32>
      %get3A_192 = arith.index_cast %add3A_179 : i32 to index
      %get3A_193 = arith.constant 48 : index
      %get3A_194 = tpu.vector_load %arg8[%get3A_192, %get3A_193] {strides = array<i32>} : memref<128x128xf32, #tpu.memory_space<vmem>>, vector<1x16xf32>,
      %get3A_195 = vector.shape_cast %get3A_194 : vector<1x16xf32> to vector<16xf32>
      %get3A_196 = arith.index_cast %add3A_179 : i32 to index
      %get3A_197 = arith.constant 64 : index
      %get3A_198 = tpu.vector_load %arg8[%get3A_196, %get3A_197] {strides = array<i32>} : memref<128x128xf32, #tpu.memory_space<vmem>>, vector<1x16xf32>,
      %get3A_199 = vector.shape_cast %get3A_198 : vector<1x16xf32> to vector<16xf32>
      %get3A_200 = arith.index_cast %add3A_179 : i32 to index
      %get3A_201 = arith.constant 80 : index
      %get3A_202 = tpu.vector_load %arg8[%get3A_200, %get3A_201] {strides = array<i32>} : memref<128x128xf32, #tpu.memory_space<vmem>>, vector<1x16xf32>,
      %get3A_203 = vector.shape_cast %get3A_202 : vector<1x16xf32> to vector<16xf32>
      %get3A_204 = arith.index_cast %add3A_179 : i32 to index
      %get3A_205 = arith.constant 96 : index
      %get3A_206 = tpu.vector_load %arg8[%get3A_204, %get3A_205] {strides = array<i32>} : memref<128x128xf32, #tpu.memory_space<vmem>>, vector<1x16xf32>,
      %get3A_207 = vector.shape_cast %get3A_206 : vector<1x16xf32> to vector<16xf32>
      %get3A_208 = arith.index_cast %add3A_179 : i32 to index
      %get3A_209 = arith.constant 112 : index
      %get3A_210 = tpu.vector_load %arg8[%get3A_208, %get3A_209] {strides = array<i32>} : memref<128x128xf32, #tpu.memory_space<vmem>>, vector<1x16xf32>,
      %get3A_211 = vector.shape_cast %get3A_210 : vector<1x16xf32> to vector<16xf32>
      %mul3A_212 = arith.mulf %get3A_183, %get3A_183 : vector<16xf32>
      %add3A_213 = arith.addf %get3A_183, %get3A_187 : vector<16xf32>
      %mul3A_214 = arith.mulf %get3A_187, %get3A_187 : vector<16xf32>
      %add3A_215 = arith.addf %mul3A_212, %mul3A_214 : vector<16xf32>
      %add3A_216 = arith.addf %add3A_213, %get3A_191 : vector<16xf32>
      %mul3A_217 = arith.mulf %get3A_191, %get3A_191 : vector<16xf32>
      %add3A_218 = arith.addf %add3A_215, %mul3A_217 : vector<16xf32>
      %add3A_219 = arith.addf %add3A_216, %get3A_195 : vector<16xf32>
      %mul3A_220 = arith.mulf %get3A_195, %get3A_195 : vector<16xf32>
      %add3A_221 = arith.addf %add3A_218, %mul3A_220 : vector<16xf32>
      %add3A_222 = arith.addf %add3A_219, %get3A_199 : vector<16xf32>
      %mul3A_223 = arith.mulf %get3A_199, %get3A_199 : vector<16xf32>
      %add3A_224 = arith.addf %add3A_221, %mul3A_223 : vector<16xf32>
      %add3A_225 = arith.addf %add3A_222, %get3A_203 : vector<16xf32>
      %mul3A_226 = arith.mulf %get3A_203, %get3A_203 : vector<16xf32>
      %add3A_227 = arith.addf %add3A_224, %mul3A_226 : vector<16xf32>
      %add3A_228 = arith.addf %add3A_225, %get3A_207 : vector<16xf32>
      %mul3A_229 = arith.mulf %get3A_207, %get3A_207 : vector<16xf32>
      %add3A_230 = arith.addf %add3A_227, %mul3A_229 : vector<16xf32>
      %add3A_231 = arith.addf %add3A_228, %get3A_211 : vector<16xf32>
      %mul3A_232 = arith.mulf %get3A_211, %get3A_211 : vector<16xf32>
      %add3A_233 = arith.addf %add3A_230, %mul3A_232 : vector<16xf32>
      %gather3A = vector.shape_cast %broadcast_in_dim3A : vector<16x1xi32> to vector<16xi32>
      %gather3A_234 = tpu.dynamic_gather %add3A_231[%gather3A] in [0] : vector<16xf32>, vector<16xi32> -> vector<16xf32>
      %add3A_235 = arith.addf %add3A_231, %gather3A_234 : vector<16xf32>
      %gather3A_236 = vector.shape_cast %broadcast_in_dim3A_56 : vector<16x1xi32> to vector<16xi32>
      %gather3A_237 = tpu.dynamic_gather %add3A_235[%gather3A_236] in [0] : vector<16xf32>, vector<16xi32> -> vector<16xf32>
      %add3A_238 = arith.addf %add3A_235, %gather3A_237 : vector<16xf32>
      %gather3A_239 = vector.shape_cast %broadcast_in_dim3A_61 : vector<16x1xi32> to vector<16xi32>
      %gather3A_240 = tpu.dynamic_gather %add3A_238[%gather3A_239] in [0] : vector<16xf32>, vector<16xi32> -> vector<16xf32>
      %add3A_241 = arith.addf %add3A_238, %gather3A_240 : vector<16xf32>
      %gather3A_242 = vector.shape_cast %broadcast_in_dim3A_66 : vector<16x1xi32> to vector<16xi32>
      %gather3A_243 = tpu.dynamic_gather %add3A_241[%gather3A_242] in [0] : vector<16xf32>, vector<16xi32> -> vector<16xf32>
      %add3A_244 = arith.addf %add3A_241, %gather3A_243 : vector<16xf32>
      %gather3A_245 = vector.shape_cast %broadcast_in_dim3A : vector<16x1xi32> to vector<16xi32>
      %gather3A_246 = tpu.dynamic_gather %add3A_233[%gather3A_245] in [0] : vector<16xf32>, vector<16xi32> -> vector<16xf32>
      %add3A_247 = arith.addf %add3A_233, %gather3A_246 : vector<16xf32>
      %gather3A_248 = vector.shape_cast %broadcast_in_dim3A_56 : vector<16x1xi32> to vector<16xi32>
      %gather3A_249 = tpu.dynamic_gather %add3A_247[%gather3A_248] in [0] : vector<16xf32>, vector<16xi32> -> vector<16xf32>
      %add3A_250 = arith.addf %add3A_247, %gather3A_249 : vector<16xf32>
      %gather3A_251 = vector.shape_cast %broadcast_in_dim3A_61 : vector<16x1xi32> to vector<16xi32>
      %gather3A_252 = tpu.dynamic_gather %add3A_250[%gather3A_251] in [0] : vector<16xf32>, vector<16xi32> -> vector<16xf32>
      %add3A_253 = arith.addf %add3A_250, %gather3A_252 : vector<16xf32>
      %gather3A_254 = vector.shape_cast %broadcast_in_dim3A_66 : vector<16x1xi32> to vector<16xi32>
      %gather3A_255 = tpu.dynamic_gather %add3A_253[%gather3A_254] in [0] : vector<16xf32>, vector<16xi32> -> vector<16xf32>
      %add3A_256 = arith.addf %add3A_253, %gather3A_255 : vector<16xf32>
      %add3A_257 = arith.constant 1 : i32
      %add3A_258 = arith.addi %add3A_177, %add3A_257 : i32
      %get3A_259 = arith.index_cast %add3A_258 : i32 to index
      %get3A_260 = arith.constant 0 : index
      %get3A_261 = tpu.vector_load %arg8[%get3A_259, %get3A_260] {strides = array<i32>} : memref<128x128xf32, #tpu.memory_space<vmem>>, vector<1x16xf32>,
      %get3A_262 = vector.shape_cast %get3A_261 : vector<1x16xf32> to vector<16xf32>
      %get3A_263 = arith.index_cast %add3A_258 : i32 to index
      %get3A_264 = arith.constant 16 : index
      %get3A_265 = tpu.vector_load %arg8[%get3A_263, %get3A_264] {strides = array<i32>} : memref<128x128xf32, #tpu.memory_space<vmem>>, vector<1x16xf32>,
      %get3A_266 = vector.shape_cast %get3A_265 : vector<1x16xf32> to vector<16xf32>
      %get3A_267 = arith.index_cast %add3A_258 : i32 to index
      %get3A_268 = arith.constant 32 : index
      %get3A_269 = tpu.vector_load %arg8[%get3A_267, %get3A_268] {strides = array<i32>} : memref<128x128xf32, #tpu.memory_space<vmem>>, vector<1x16xf32>,
      %get3A_270 = vector.shape_cast %get3A_269 : vector<1x16xf32> to vector<16xf32>
      %get3A_271 = arith.index_cast %add3A_258 : i32 to index
      %get3A_272 = arith.constant 48 : index
      %get3A_273 = tpu.vector_load %arg8[%get3A_271, %get3A_272] {strides = array<i32>} : memref<128x128xf32, #tpu.memory_space<vmem>>, vector<1x16xf32>,
      %get3A_274 = vector.shape_cast %get3A_273 : vector<1x16xf32> to vector<16xf32>
      %get3A_275 = arith.index_cast %add3A_258 : i32 to index
      %get3A_276 = arith.constant 64 : index
      %get3A_277 = tpu.vector_load %arg8[%get3A_275, %get3A_276] {strides = array<i32>} : memref<128x128xf32, #tpu.memory_space<vmem>>, vector<1x16xf32>,
      %get3A_278 = vector.shape_cast %get3A_277 : vector<1x16xf32> to vector<16xf32>
      %get3A_279 = arith.index_cast %add3A_258 : i32 to index
      %get3A_280 = arith.constant 80 : index
      %get3A_281 = tpu.vector_load %arg8[%get3A_279, %get3A_280] {strides = array<i32>} : memref<128x128xf32, #tpu.memory_space<vmem>>, vector<1x16xf32>,
      %get3A_282 = vector.shape_cast %get3A_281 : vector<1x16xf32> to vector<16xf32>
      %get3A_283 = arith.index_cast %add3A_258 : i32 to index
      %get3A_284 = arith.constant 96 : index
      %get3A_285 = tpu.vector_load %arg8[%get3A_283, %get3A_284] {strides = array<i32>} : memref<128x128xf32, #tpu.memory_space<vmem>>, vector<1x16xf32>,
      %get3A_286 = vector.shape_cast %get3A_285 : vector<1x16xf32> to vector<16xf32>
      %get3A_287 = arith.index_cast %add3A_258 : i32 to index
      %get3A_288 = arith.constant 112 : index
      %get3A_289 = tpu.vector_load %arg8[%get3A_287, %get3A_288] {strides = array<i32>} : memref<128x128xf32, #tpu.memory_space<vmem>>, vector<1x16xf32>,
      %get3A_290 = vector.shape_cast %get3A_289 : vector<1x16xf32> to vector<16xf32>
      %mul3A_291 = arith.mulf %get3A_262, %get3A_262 : vector<16xf32>
      %add3A_292 = arith.addf %get3A_262, %get3A_266 : vector<16xf32>
      %mul3A_293 = arith.mulf %get3A_266, %get3A_266 : vector<16xf32>
      %add3A_294 = arith.addf %mul3A_291, %mul3A_293 : vector<16xf32>
      %add3A_295 = arith.addf %add3A_292, %get3A_270 : vector<16xf32>
      %mul3A_296 = arith.mulf %get3A_270, %get3A_270 : vector<16xf32>
      %add3A_297 = arith.addf %add3A_294, %mul3A_296 : vector<16xf32>
      %add3A_298 = arith.addf %add3A_295, %get3A_274 : vector<16xf32>
      %mul3A_299 = arith.mulf %get3A_274, %get3A_274 : vector<16xf32>
      %add3A_300 = arith.addf %add3A_297, %mul3A_299 : vector<16xf32>
      %add3A_301 = arith.addf %add3A_298, %get3A_278 : vector<16xf32>
      %mul3A_302 = arith.mulf %get3A_278, %get3A_278 : vector<16xf32>
      %add3A_303 = arith.addf %add3A_300, %mul3A_302 : vector<16xf32>
      %add3A_304 = arith.addf %add3A_301, %get3A_282 : vector<16xf32>
      %mul3A_305 = arith.mulf %get3A_282, %get3A_282 : vector<16xf32>
      %add3A_306 = arith.addf %add3A_303, %mul3A_305 : vector<16xf32>
      %add3A_307 = arith.addf %add3A_304, %get3A_286 : vector<16xf32>
      %mul3A_308 = arith.mulf %get3A_286, %get3A_286 : vector<16xf32>
      %add3A_309 = arith.addf %add3A_306, %mul3A_308 : vector<16xf32>
      %add3A_310 = arith.addf %add3A_307, %get3A_290 : vector<16xf32>
      %mul3A_311 = arith.mulf %get3A_290, %get3A_290 : vector<16xf32>
      %add3A_312 = arith.addf %add3A_309, %mul3A_311 : vector<16xf32>
      %gather3A_313 = vector.shape_cast %broadcast_in_dim3A : vector<16x1xi32> to vector<16xi32>
      %gather3A_314 = tpu.dynamic_gather %add3A_310[%gather3A_313] in [0] : vector<16xf32>, vector<16xi32> -> vector<16xf32>
      %add3A_315 = arith.addf %add3A_310, %gather3A_314 : vector<16xf32>
      %gather3A_316 = vector.shape_cast %broadcast_in_dim3A_56 : vector<16x1xi32> to vector<16xi32>
      %gather3A_317 = tpu.dynamic_gather %add3A_315[%gather3A_316] in [0] : vector<16xf32>, vector<16xi32> -> vector<16xf32>
      %add3A_318 = arith.addf %add3A_315, %gather3A_317 : vector<16xf32>
      %gather3A_319 = vector.shape_cast %broadcast_in_dim3A_61 : vector<16x1xi32> to vector<16xi32>
      %gather3A_320 = tpu.dynamic_gather %add3A_318[%gather3A_319] in [0] : vector<16xf32>, vector<16xi32> -> vector<16xf32>
      %add3A_321 = arith.addf %add3A_318, %gather3A_320 : vector<16xf32>
      %gather3A_322 = vector.shape_cast %broadcast_in_dim3A_66 : vector<16x1xi32> to vector<16xi32>
      %gather3A_323 = tpu.dynamic_gather %add3A_321[%gather3A_322] in [0] : vector<16xf32>, vector<16xi32> -> vector<16xf32>
      %add3A_324 = arith.addf %add3A_321, %gather3A_323 : vector<16xf32>
      %gather3A_325 = vector.shape_cast %broadcast_in_dim3A : vector<16x1xi32> to vector<16xi32>
      %gather3A_326 = tpu.dynamic_gather %add3A_312[%gather3A_325] in [0] : vector<16xf32>, vector<16xi32> -> vector<16xf32>
      %add3A_327 = arith.addf %add3A_312, %gather3A_326 : vector<16xf32>
      %gather3A_328 = vector.shape_cast %broadcast_in_dim3A_56 : vector<16x1xi32> to vector<16xi32>
      %gather3A_329 = tpu.dynamic_gather %add3A_327[%gather3A_328] in [0] : vector<16xf32>, vector<16xi32> -> vector<16xf32>
      %add3A_330 = arith.addf %add3A_327, %gather3A_329 : vector<16xf32>
      %gather3A_331 = vector.shape_cast %broadcast_in_dim3A_61 : vector<16x1xi32> to vector<16xi32>
      %gather3A_332 = tpu.dynamic_gather %add3A_330[%gather3A_331] in [0] : vector<16xf32>, vector<16xi32> -> vector<16xf32>
      %add3A_333 = arith.addf %add3A_330, %gather3A_332 : vector<16xf32>
      %gather3A_334 = vector.shape_cast %broadcast_in_dim3A_66 : vector<16x1xi32> to vector<16xi32>
      %gather3A_335 = tpu.dynamic_gather %add3A_333[%gather3A_334] in [0] : vector<16xf32>, vector<16xi32> -> vector<16xf32>
      %add3A_336 = arith.addf %add3A_333, %gather3A_335 : vector<16xf32>
      %add3A_337 = arith.constant 2 : i32
      %add3A_338 = arith.addi %add3A_177, %add3A_337 : i32
      %get3A_339 = arith.index_cast %add3A_338 : i32 to index
      %get3A_340 = arith.constant 0 : index
      %get3A_341 = tpu.vector_load %arg8[%get3A_339, %get3A_340] {strides = array<i32>} : memref<128x128xf32, #tpu.memory_space<vmem>>, vector<1x16xf32>,
      %get3A_342 = vector.shape_cast %get3A_341 : vector<1x16xf32> to vector<16xf32>
      %get3A_343 = arith.index_cast %add3A_338 : i32 to index
      %get3A_344 = arith.constant 16 : index
      %get3A_345 = tpu.vector_load %arg8[%get3A_343, %get3A_344] {strides = array<i32>} : memref<128x128xf32, #tpu.memory_space<vmem>>, vector<1x16xf32>,
      %get3A_346 = vector.shape_cast %get3A_345 : vector<1x16xf32> to vector<16xf32>
      %get3A_347 = arith.index_cast %add3A_338 : i32 to index
      %get3A_348 = arith.constant 32 : index
      %get3A_349 = tpu.vector_load %arg8[%get3A_347, %get3A_348] {strides = array<i32>} : memref<128x128xf32, #tpu.memory_space<vmem>>, vector<1x16xf32>,
      %get3A_350 = vector.shape_cast %get3A_349 : vector<1x16xf32> to vector<16xf32>
      %get3A_351 = arith.index_cast %add3A_338 : i32 to index
      %get3A_352 = arith.constant 48 : index
      %get3A_353 = tpu.vector_load %arg8[%get3A_351, %get3A_352] {strides = array<i32>} : memref<128x128xf32, #tpu.memory_space<vmem>>, vector<1x16xf32>,
      %get3A_354 = vector.shape_cast %get3A_353 : vector<1x16xf32> to vector<16xf32>
      %get3A_355 = arith.index_cast %add3A_338 : i32 to index
      %get3A_356 = arith.constant 64 : index
      %get3A_357 = tpu.vector_load %arg8[%get3A_355, %get3A_356] {strides = array<i32>} : memref<128x128xf32, #tpu.memory_space<vmem>>, vector<1x16xf32>,
      %get3A_358 = vector.shape_cast %get3A_357 : vector<1x16xf32> to vector<16xf32>
      %get3A_359 = arith.index_cast %add3A_338 : i32 to index
      %get3A_360 = arith.constant 80 : index
      %get3A_361 = tpu.vector_load %arg8[%get3A_359, %get3A_360] {strides = array<i32>} : memref<128x128xf32, #tpu.memory_space<vmem>>, vector<1x16xf32>,
      %get3A_362 = vector.shape_cast %get3A_361 : vector<1x16xf32> to vector<16xf32>
      %get3A_363 = arith.index_cast %add3A_338 : i32 to index
      %get3A_364 = arith.constant 96 : index
      %get3A_365 = tpu.vector_load %arg8[%get3A_363, %get3A_364] {strides = array<i32>} : memref<128x128xf32, #tpu.memory_space<vmem>>, vector<1x16xf32>,
      %get3A_366 = vector.shape_cast %get3A_365 : vector<1x16xf32> to vector<16xf32>
      %get3A_367 = arith.index_cast %add3A_338 : i32 to index
      %get3A_368 = arith.constant 112 : index
      %get3A_369 = tpu.vector_load %arg8[%get3A_367, %get3A_368] {strides = array<i32>} : memref<128x128xf32, #tpu.memory_space<vmem>>, vector<1x16xf32>,
      %get3A_370 = vector.shape_cast %get3A_369 : vector<1x16xf32> to vector<16xf32>
      %mul3A_371 = arith.mulf %get3A_342, %get3A_342 : vector<16xf32>
      %add3A_372 = arith.addf %get3A_342, %get3A_346 : vector<16xf32>
      %mul3A_373 = arith.mulf %get3A_346, %get3A_346 : vector<16xf32>
      %add3A_374 = arith.addf %mul3A_371, %mul3A_373 : vector<16xf32>
      %add3A_375 = arith.addf %add3A_372, %get3A_350 : vector<16xf32>
      %mul3A_376 = arith.mulf %get3A_350, %get3A_350 : vector<16xf32>
      %add3A_377 = arith.addf %add3A_374, %mul3A_376 : vector<16xf32>
      %add3A_378 = arith.addf %add3A_375, %get3A_354 : vector<16xf32>
      %mul3A_379 = arith.mulf %get3A_354, %get3A_354 : vector<16xf32>
      %add3A_380 = arith.addf %add3A_377, %mul3A_379 : vector<16xf32>
      %add3A_381 = arith.addf %add3A_378, %get3A_358 : vector<16xf32>
      %mul3A_382 = arith.mulf %get3A_358, %get3A_358 : vector<16xf32>
      %add3A_383 = arith.addf %add3A_380, %mul3A_382 : vector<16xf32>
      %add3A_384 = arith.addf %add3A_381, %get3A_362 : vector<16xf32>
      %mul3A_385 = arith.mulf %get3A_362, %get3A_362 : vector<16xf32>
      %add3A_386 = arith.addf %add3A_383, %mul3A_385 : vector<16xf32>
      %add3A_387 = arith.addf %add3A_384, %get3A_366 : vector<16xf32>
      %mul3A_388 = arith.mulf %get3A_366, %get3A_366 : vector<16xf32>
      %add3A_389 = arith.addf %add3A_386, %mul3A_388 : vector<16xf32>
      %add3A_390 = arith.addf %add3A_387, %get3A_370 : vector<16xf32>
      %mul3A_391 = arith.mulf %get3A_370, %get3A_370 : vector<16xf32>
      %add3A_392 = arith.addf %add3A_389, %mul3A_391 : vector<16xf32>
      %gather3A_393 = vector.shape_cast %broadcast_in_dim3A : vector<16x1xi32> to vector<16xi32>
      %gather3A_394 = tpu.dynamic_gather %add3A_390[%gather3A_393] in [0] : vector<16xf32>, vector<16xi32> -> vector<16xf32>
      %add3A_395 = arith.addf %add3A_390, %gather3A_394 : vector<16xf32>
      %gather3A_396 = vector.shape_cast %broadcast_in_dim3A_56 : vector<16x1xi32> to vector<16xi32>
      %gather3A_397 = tpu.dynamic_gather %add3A_395[%gather3A_396] in [0] : vector<16xf32>, vector<16xi32> -> vector<16xf32>
      %add3A_398 = arith.addf %add3A_395, %gather3A_397 : vector<16xf32>
      %gather3A_399 = vector.shape_cast %broadcast_in_dim3A_61 : vector<16x1xi32> to vector<16xi32>
      %gather3A_400 = tpu.dynamic_gather %add3A_398[%gather3A_399] in [0] : vector<16xf32>, vector<16xi32> -> vector<16xf32>
      %add3A_401 = arith.addf %add3A_398, %gather3A_400 : vector<16xf32>
      %gather3A_402 = vector.shape_cast %broadcast_in_dim3A_66 : vector<16x1xi32> to vector<16xi32>
      %gather3A_403 = tpu.dynamic_gather %add3A_401[%gather3A_402] in [0] : vector<16xf32>, vector<16xi32> -> vector<16xf32>
      %add3A_404 = arith.addf %add3A_401, %gather3A_403 : vector<16xf32>
      %gather3A_405 = vector.shape_cast %broadcast_in_dim3A : vector<16x1xi32> to vector<16xi32>
      %gather3A_406 = tpu.dynamic_gather %add3A_392[%gather3A_405] in [0] : vector<16xf32>, vector<16xi32> -> vector<16xf32>
      %add3A_407 = arith.addf %add3A_392, %gather3A_406 : vector<16xf32>
      %gather3A_408 = vector.shape_cast %broadcast_in_dim3A_56 : vector<16x1xi32> to vector<16xi32>
      %gather3A_409 = tpu.dynamic_gather %add3A_407[%gather3A_408] in [0] : vector<16xf32>, vector<16xi32> -> vector<16xf32>
      %add3A_410 = arith.addf %add3A_407, %gather3A_409 : vector<16xf32>
      %gather3A_411 = vector.shape_cast %broadcast_in_dim3A_61 : vector<16x1xi32> to vector<16xi32>
      %gather3A_412 = tpu.dynamic_gather %add3A_410[%gather3A_411] in [0] : vector<16xf32>, vector<16xi32> -> vector<16xf32>
      %add3A_413 = arith.addf %add3A_410, %gather3A_412 : vector<16xf32>
      %gather3A_414 = vector.shape_cast %broadcast_in_dim3A_66 : vector<16x1xi32> to vector<16xi32>
      %gather3A_415 = tpu.dynamic_gather %add3A_413[%gather3A_414] in [0] : vector<16xf32>, vector<16xi32> -> vector<16xf32>
      %add3A_416 = arith.addf %add3A_413, %gather3A_415 : vector<16xf32>
      %add3A_417 = arith.constant 3 : i32
      %add3A_418 = arith.addi %add3A_177, %add3A_417 : i32
      %get3A_419 = arith.index_cast %add3A_418 : i32 to index
      %get3A_420 = arith.constant 0 : index
      %get3A_421 = tpu.vector_load %arg8[%get3A_419, %get3A_420] {strides = array<i32>} : memref<128x128xf32, #tpu.memory_space<vmem>>, vector<1x16xf32>,
      %get3A_422 = vector.shape_cast %get3A_421 : vector<1x16xf32> to vector<16xf32>
      %get3A_423 = arith.index_cast %add3A_418 : i32 to index
      %get3A_424 = arith.constant 16 : index
      %get3A_425 = tpu.vector_load %arg8[%get3A_423, %get3A_424] {strides = array<i32>} : memref<128x128xf32, #tpu.memory_space<vmem>>, vector<1x16xf32>,
      %get3A_426 = vector.shape_cast %get3A_425 : vector<1x16xf32> to vector<16xf32>
      %get3A_427 = arith.index_cast %add3A_418 : i32 to index
      %get3A_428 = arith.constant 32 : index
      %get3A_429 = tpu.vector_load %arg8[%get3A_427, %get3A_428] {strides = array<i32>} : memref<128x128xf32, #tpu.memory_space<vmem>>, vector<1x16xf32>,
      %get3A_430 = vector.shape_cast %get3A_429 : vector<1x16xf32> to vector<16xf32>
      %get3A_431 = arith.index_cast %add3A_418 : i32 to index
      %get3A_432 = arith.constant 48 : index
      %get3A_433 = tpu.vector_load %arg8[%get3A_431, %get3A_432] {strides = array<i32>} : memref<128x128xf32, #tpu.memory_space<vmem>>, vector<1x16xf32>,
      %get3A_434 = vector.shape_cast %get3A_433 : vector<1x16xf32> to vector<16xf32>
      %get3A_435 = arith.index_cast %add3A_418 : i32 to index
      %get3A_436 = arith.constant 64 : index
      %get3A_437 = tpu.vector_load %arg8[%get3A_435, %get3A_436] {strides = array<i32>} : memref<128x128xf32, #tpu.memory_space<vmem>>, vector<1x16xf32>,
      %get3A_438 = vector.shape_cast %get3A_437 : vector<1x16xf32> to vector<16xf32>
      %get3A_439 = arith.index_cast %add3A_418 : i32 to index
      %get3A_440 = arith.constant 80 : index
      %get3A_441 = tpu.vector_load %arg8[%get3A_439, %get3A_440] {strides = array<i32>} : memref<128x128xf32, #tpu.memory_space<vmem>>, vector<1x16xf32>,
      %get3A_442 = vector.shape_cast %get3A_441 : vector<1x16xf32> to vector<16xf32>
      %get3A_443 = arith.index_cast %add3A_418 : i32 to index
      %get3A_444 = arith.constant 96 : index
      %get3A_445 = tpu.vector_load %arg8[%get3A_443, %get3A_444] {strides = array<i32>} : memref<128x128xf32, #tpu.memory_space<vmem>>, vector<1x16xf32>,
      %get3A_446 = vector.shape_cast %get3A_445 : vector<1x16xf32> to vector<16xf32>
      %get3A_447 = arith.index_cast %add3A_418 : i32 to index
      %get3A_448 = arith.constant 112 : index
      %get3A_449 = tpu.vector_load %arg8[%get3A_447, %get3A_448] {strides = array<i32>} : memref<128x128xf32, #tpu.memory_space<vmem>>, vector<1x16xf32>,
      %get3A_450 = vector.shape_cast %get3A_449 : vector<1x16xf32> to vector<16xf32>
      %mul3A_451 = arith.mulf %get3A_422, %get3A_422 : vector<16xf32>
      %add3A_452 = arith.addf %get3A_422, %get3A_426 : vector<16xf32>
      %mul3A_453 = arith.mulf %get3A_426, %get3A_426 : vector<16xf32>
      %add3A_454 = arith.addf %mul3A_451, %mul3A_453 : vector<16xf32>
      %add3A_455 = arith.addf %add3A_452, %get3A_430 : vector<16xf32>
      %mul3A_456 = arith.mulf %get3A_430, %get3A_430 : vector<16xf32>
      %add3A_457 = arith.addf %add3A_454, %mul3A_456 : vector<16xf32>
      %add3A_458 = arith.addf %add3A_455, %get3A_434 : vector<16xf32>
      %mul3A_459 = arith.mulf %get3A_434, %get3A_434 : vector<16xf32>
      %add3A_460 = arith.addf %add3A_457, %mul3A_459 : vector<16xf32>
      %add3A_461 = arith.addf %add3A_458, %get3A_438 : vector<16xf32>
      %mul3A_462 = arith.mulf %get3A_438, %get3A_438 : vector<16xf32>
      %add3A_463 = arith.addf %add3A_460, %mul3A_462 : vector<16xf32>
      %add3A_464 = arith.addf %add3A_461, %get3A_442 : vector<16xf32>
      %mul3A_465 = arith.mulf %get3A_442, %get3A_442 : vector<16xf32>
      %add3A_466 = arith.addf %add3A_463, %mul3A_465 : vector<16xf32>
      %add3A_467 = arith.addf %add3A_464, %get3A_446 : vector<16xf32>
      %mul3A_468 = arith.mulf %get3A_446, %get3A_446 : vector<16xf32>
      %add3A_469 = arith.addf %add3A_466, %mul3A_468 : vector<16xf32>
      %add3A_470 = arith.addf %add3A_467, %get3A_450 : vector<16xf32>
      %mul3A_471 = arith.mulf %get3A_450, %get3A_450 : vector<16xf32>
      %add3A_472 = arith.addf %add3A_469, %mul3A_471 : vector<16xf32>
      %gather3A_473 = vector.shape_cast %broadcast_in_dim3A : vector<16x1xi32> to vector<16xi32>
      %gather3A_474 = tpu.dynamic_gather %add3A_470[%gather3A_473] in [0] : vector<16xf32>, vector<16xi32> -> vector<16xf32>
      %add3A_475 = arith.addf %add3A_470, %gather3A_474 : vector<16xf32>
      %gather3A_476 = vector.shape_cast %broadcast_in_dim3A_56 : vector<16x1xi32> to vector<16xi32>
      %gather3A_477 = tpu.dynamic_gather %add3A_475[%gather3A_476] in [0] : vector<16xf32>, vector<16xi32> -> vector<16xf32>
      %add3A_478 = arith.addf %add3A_475, %gather3A_477 : vector<16xf32>
      %gather3A_479 = vector.shape_cast %broadcast_in_dim3A_61 : vector<16x1xi32> to vector<16xi32>
      %gather3A_480 = tpu.dynamic_gather %add3A_478[%gather3A_479] in [0] : vector<16xf32>, vector<16xi32> -> vector<16xf32>
      %add3A_481 = arith.addf %add3A_478, %gather3A_480 : vector<16xf32>
      %gather3A_482 = vector.shape_cast %broadcast_in_dim3A_66 : vector<16x1xi32> to vector<16xi32>
      %gather3A_483 = tpu.dynamic_gather %add3A_481[%gather3A_482] in [0] : vector<16xf32>, vector<16xi32> -> vector<16xf32>
      %add3A_484 = arith.addf %add3A_481, %gather3A_483 : vector<16xf32>
      %gather3A_485 = vector.shape_cast %broadcast_in_dim3A : vector<16x1xi32> to vector<16xi32>
      %gather3A_486 = tpu.dynamic_gather %add3A_472[%gather3A_485] in [0] : vector<16xf32>, vector<16xi32> -> vector<16xf32>
      %add3A_487 = arith.addf %add3A_472, %gather3A_486 : vector<16xf32>
      %gather3A_488 = vector.shape_cast %broadcast_in_dim3A_56 : vector<16x1xi32> to vector<16xi32>
      %gather3A_489 = tpu.dynamic_gather %add3A_487[%gather3A_488] in [0] : vector<16xf32>, vector<16xi32> -> vector<16xf32>
      %add3A_490 = arith.addf %add3A_487, %gather3A_489 : vector<16xf32>
      %gather3A_491 = vector.shape_cast %broadcast_in_dim3A_61 : vector<16x1xi32> to vector<16xi32>
      %gather3A_492 = tpu.dynamic_gather %add3A_490[%gather3A_491] in [0] : vector<16xf32>, vector<16xi32> -> vector<16xf32>
      %add3A_493 = arith.addf %add3A_490, %gather3A_492 : vector<16xf32>
      %gather3A_494 = vector.shape_cast %broadcast_in_dim3A_66 : vector<16x1xi32> to vector<16xi32>
      %gather3A_495 = tpu.dynamic_gather %add3A_493[%gather3A_494] in [0] : vector<16xf32>, vector<16xi32> -> vector<16xf32>
      %add3A_496 = arith.addf %add3A_493, %gather3A_495 : vector<16xf32>
      %select_n3A = arith.select %eq3A_73, %add3A_324, %add3A_244 : vector<16xi1>, vector<16xf32>
      %select_n3A_497 = arith.select %eq3A_73, %add3A_336, %add3A_256 : vector<16xi1>, vector<16xf32>
      %select_n3A_498 = arith.select %eq3A_77, %add3A_404, %select_n3A : vector<16xi1>, vector<16xf32>
      %select_n3A_499 = arith.select %eq3A_77, %add3A_416, %select_n3A_497 : vector<16xi1>, vector<16xf32>
      %select_n3A_500 = arith.select %eq3A_81, %add3A_484, %select_n3A_498 : vector<16xi1>, vector<16xf32>
      %select_n3A_501 = arith.select %eq3A_81, %add3A_496, %select_n3A_499 : vector<16xi1>, vector<16xf32>
      %mul3A_502 = vector.broadcast %scan3A_104 : f32 to vector<16xf32>
      %mul3A_503 = arith.mulf %select_n3A_500, %mul3A_502 : vector<16xf32>
      %mul3A_504 = vector.broadcast %scan3A_104 : f32 to vector<16xf32>
      %mul3A_505 = arith.mulf %select_n3A_501, %mul3A_504 : vector<16xf32>
      %mul3A_506 = arith.mulf %mul3A_503, %mul3A_503 : vector<16xf32>
      %sub3A = arith.subf %mul3A_505, %mul3A_506 : vector<16xf32>
      %add3A_507 = arith.constant 9.99999974E-6 : f32
      %add3A_508 = vector.broadcast %add3A_507 : f32 to vector<16xf32>
      %add3A_509 = arith.addf %sub3A, %add3A_508 : vector<16xf32>
      %bitcast_convert_type3A = tpu.bitcast %add3A_509 : vector<16xf32> -> vector<16xi32>
      %shift_right_arithmetic3A = arith.constant 1 : i32
      %shift_right_arithmetic3A_510 = vector.broadcast %shift_right_arithmetic3A : i32 to vector<16xi32>
      %shift_right_arithmetic3A_511 = arith.shrsi %bitcast_convert_type3A, %shift_right_arithmetic3A_510 : vector<16xi32>
      %sub3A_512 = arith.constant 1597463007 : i32
      %sub3A_513 = vector.broadcast %sub3A_512 : i32 to vector<16xi32>
      %sub3A_514 = arith.subi %sub3A_513, %shift_right_arithmetic3A_511 : vector<16xi32>
      %bitcast_convert_type3A_515 = tpu.bitcast %sub3A_514 : vector<16xi32> -> vector<16xf32>
      %mul3A_516 = arith.constant 5.000000e-01 : f32
      %mul3A_517 = vector.broadcast %mul3A_516 : f32 to vector<16xf32>
      %mul3A_518 = arith.mulf %mul3A_517, %add3A_509 : vector<16xf32>
      %mul3A_519 = arith.mulf %mul3A_518, %bitcast_convert_type3A_515 : vector<16xf32>
      %mul3A_520 = arith.mulf %mul3A_519, %bitcast_convert_type3A_515 : vector<16xf32>
      %sub3A_521 = arith.constant 1.500000e+00 : f32
      %sub3A_522 = vector.broadcast %sub3A_521 : f32 to vector<16xf32>
      %sub3A_523 = arith.subf %sub3A_522, %mul3A_520 : vector<16xf32>
      %mul3A_524 = arith.mulf %bitcast_convert_type3A_515, %sub3A_523 : vector<16xf32>
      %mul3A_525 = arith.mulf %mul3A_518, %mul3A_524 : vector<16xf32>
      %mul3A_526 = arith.mulf %mul3A_525, %mul3A_524 : vector<16xf32>
      %sub3A_527 = arith.constant 1.500000e+00 : f32
      %sub3A_528 = vector.broadcast %sub3A_527 : f32 to vector<16xf32>
      %sub3A_529 = arith.subf %sub3A_528, %mul3A_526 : vector<16xf32>
      %mul3A_530 = arith.mulf %mul3A_524, %sub3A_529 : vector<16xf32>
      %broadcast_in_dim3A_531 = arith.constant 0 : i32
      %broadcast_in_dim3A_532 = vector.broadcast %broadcast_in_dim3A_531 : i32 to vector<16x1xi32>
      %gather3A_533 = vector.shape_cast %broadcast_in_dim3A_532 : vector<16x1xi32> to vector<16xi32>
      %gather3A_534 = tpu.dynamic_gather %mul3A_503[%gather3A_533] in [0] : vector<16xf32>, vector<16xi32> -> vector<16xf32>
      %broadcast_in_dim3A_535 = arith.constant 0 : i32
      %broadcast_in_dim3A_536 = vector.broadcast %broadcast_in_dim3A_535 : i32 to vector<16x1xi32>
      %gather3A_537 = vector.shape_cast %broadcast_in_dim3A_536 : vector<16x1xi32> to vector<16xi32>
      %gather3A_538 = tpu.dynamic_gather %mul3A_530[%gather3A_537] in [0] : vector<16xf32>, vector<16xi32> -> vector<16xf32>
      %sub3A_539 = arith.subf %get3A_183, %gather3A_534 : vector<16xf32>
      %mul3A_540 = arith.mulf %sub3A_539, %gather3A_538 : vector<16xf32>
      %mul3A_541 = arith.mulf %mul3A_540, %get3A_4 : vector<16xf32>
      %add3A_542 = arith.addf %mul3A_541, %get3A_28 : vector<16xf32>
      %add3A_543 = arith.constant 0 : i32
      %add3A_544 = arith.addi %add3A_177, %add3A_543 : i32
      %swap3A = arith.index_cast %add3A_544 : i32 to index
      %swap3A_545 = arith.constant 0 : index
      %swap3A_546 = tpu.vector_load %arg8[%swap3A, %swap3A_545] {strides = array<i32>} : memref<128x128xf32, #tpu.memory_space<vmem>>, vector<1x16xf32>,
      %swap3A_547 = vector.shape_cast %swap3A_546 : vector<1x16xf32> to vector<16xf32>
      %swap3A_548 = vector.shape_cast %add3A_542 : vector<16xf32> to vector<1x16xf32>
      tpu.vector_store %arg8[%swap3A, %swap3A_545], %swap3A_548 {strides = array<i32>} : memref<128x128xf32, #tpu.memory_space<vmem>>, vector<1x16xf32>,
      %sub3A_549 = arith.subf %get3A_187, %gather3A_534 : vector<16xf32>
      %mul3A_550 = arith.mulf %sub3A_549, %gather3A_538 : vector<16xf32>
      %mul3A_551 = arith.mulf %mul3A_550, %get3A_7 : vector<16xf32>
      %add3A_552 = arith.addf %mul3A_551, %get3A_31 : vector<16xf32>
      %add3A_553 = arith.constant 0 : i32
      %add3A_554 = arith.addi %add3A_177, %add3A_553 : i32
      %swap3A_555 = arith.index_cast %add3A_554 : i32 to index
      %swap3A_556 = arith.constant 16 : index
      %swap3A_557 = tpu.vector_load %arg8[%swap3A_555, %swap3A_556] {strides = array<i32>} : memref<128x128xf32, #tpu.memory_space<vmem>>, vector<1x16xf32>,
      %swap3A_558 = vector.shape_cast %swap3A_557 : vector<1x16xf32> to vector<16xf32>
      %swap3A_559 = vector.shape_cast %add3A_552 : vector<16xf32> to vector<1x16xf32>
      tpu.vector_store %arg8[%swap3A_555, %swap3A_556], %swap3A_559 {strides = array<i32>} : memref<128x128xf32, #tpu.memory_space<vmem>>, vector<1x16xf32>,
      %sub3A_560 = arith.subf %get3A_191, %gather3A_534 : vector<16xf32>
      %mul3A_561 = arith.mulf %sub3A_560, %gather3A_538 : vector<16xf32>
      %mul3A_562 = arith.mulf %mul3A_561, %get3A_10 : vector<16xf32>
      %add3A_563 = arith.addf %mul3A_562, %get3A_34 : vector<16xf32>
      %add3A_564 = arith.constant 0 : i32
      %add3A_565 = arith.addi %add3A_177, %add3A_564 : i32
      %swap3A_566 = arith.index_cast %add3A_565 : i32 to index
      %swap3A_567 = arith.constant 32 : index
      %swap3A_568 = tpu.vector_load %arg8[%swap3A_566, %swap3A_567] {strides = array<i32>} : memref<128x128xf32, #tpu.memory_space<vmem>>, vector<1x16xf32>,
      %swap3A_569 = vector.shape_cast %swap3A_568 : vector<1x16xf32> to vector<16xf32>
      %swap3A_570 = vector.shape_cast %add3A_563 : vector<16xf32> to vector<1x16xf32>
      tpu.vector_store %arg8[%swap3A_566, %swap3A_567], %swap3A_570 {strides = array<i32>} : memref<128x128xf32, #tpu.memory_space<vmem>>, vector<1x16xf32>,
      %sub3A_571 = arith.subf %get3A_195, %gather3A_534 : vector<16xf32>
      %mul3A_572 = arith.mulf %sub3A_571, %gather3A_538 : vector<16xf32>
      %mul3A_573 = arith.mulf %mul3A_572, %get3A_13 : vector<16xf32>
      %add3A_574 = arith.addf %mul3A_573, %get3A_37 : vector<16xf32>
      %add3A_575 = arith.constant 0 : i32
      %add3A_576 = arith.addi %add3A_177, %add3A_575 : i32
      %swap3A_577 = arith.index_cast %add3A_576 : i32 to index
      %swap3A_578 = arith.constant 48 : index
      %swap3A_579 = tpu.vector_load %arg8[%swap3A_577, %swap3A_578] {strides = array<i32>} : memref<128x128xf32, #tpu.memory_space<vmem>>, vector<1x16xf32>,
      %swap3A_580 = vector.shape_cast %swap3A_579 : vector<1x16xf32> to vector<16xf32>
      %swap3A_581 = vector.shape_cast %add3A_574 : vector<16xf32> to vector<1x16xf32>
      tpu.vector_store %arg8[%swap3A_577, %swap3A_578], %swap3A_581 {strides = array<i32>} : memref<128x128xf32, #tpu.memory_space<vmem>>, vector<1x16xf32>,
      %sub3A_582 = arith.subf %get3A_199, %gather3A_534 : vector<16xf32>
      %mul3A_583 = arith.mulf %sub3A_582, %gather3A_538 : vector<16xf32>
      %mul3A_584 = arith.mulf %mul3A_583, %get3A_16 : vector<16xf32>
      %add3A_585 = arith.addf %mul3A_584, %get3A_40 : vector<16xf32>
      %add3A_586 = arith.constant 0 : i32
      %add3A_587 = arith.addi %add3A_177, %add3A_586 : i32
      %swap3A_588 = arith.index_cast %add3A_587 : i32 to index
      %swap3A_589 = arith.constant 64 : index
      %swap3A_590 = tpu.vector_load %arg8[%swap3A_588, %swap3A_589] {strides = array<i32>} : memref<128x128xf32, #tpu.memory_space<vmem>>, vector<1x16xf32>,
      %swap3A_591 = vector.shape_cast %swap3A_590 : vector<1x16xf32> to vector<16xf32>
      %swap3A_592 = vector.shape_cast %add3A_585 : vector<16xf32> to vector<1x16xf32>
      tpu.vector_store %arg8[%swap3A_588, %swap3A_589], %swap3A_592 {strides = array<i32>} : memref<128x128xf32, #tpu.memory_space<vmem>>, vector<1x16xf32>,
      %sub3A_593 = arith.subf %get3A_203, %gather3A_534 : vector<16xf32>
      %mul3A_594 = arith.mulf %sub3A_593, %gather3A_538 : vector<16xf32>
      %mul3A_595 = arith.mulf %mul3A_594, %get3A_19 : vector<16xf32>
      %add3A_596 = arith.addf %mul3A_595, %get3A_43 : vector<16xf32>
      %add3A_597 = arith.constant 0 : i32
      %add3A_598 = arith.addi %add3A_177, %add3A_597 : i32
      %swap3A_599 = arith.index_cast %add3A_598 : i32 to index
      %swap3A_600 = arith.constant 80 : index
      %swap3A_601 = tpu.vector_load %arg8[%swap3A_599, %swap3A_600] {strides = array<i32>} : memref<128x128xf32, #tpu.memory_space<vmem>>, vector<1x16xf32>,
      %swap3A_602 = vector.shape_cast %swap3A_601 : vector<1x16xf32> to vector<16xf32>
      %swap3A_603 = vector.shape_cast %add3A_596 : vector<16xf32> to vector<1x16xf32>
      tpu.vector_store %arg8[%swap3A_599, %swap3A_600], %swap3A_603 {strides = array<i32>} : memref<128x128xf32, #tpu.memory_space<vmem>>, vector<1x16xf32>,
      %sub3A_604 = arith.subf %get3A_207, %gather3A_534 : vector<16xf32>
      %mul3A_605 = arith.mulf %sub3A_604, %gather3A_538 : vector<16xf32>
      %mul3A_606 = arith.mulf %mul3A_605, %get3A_22 : vector<16xf32>
      %add3A_607 = arith.addf %mul3A_606, %get3A_46 : vector<16xf32>
      %add3A_608 = arith.constant 0 : i32
      %add3A_609 = arith.addi %add3A_177, %add3A_608 : i32
      %swap3A_610 = arith.index_cast %add3A_609 : i32 to index
      %swap3A_611 = arith.constant 96 : index
      %swap3A_612 = tpu.vector_load %arg8[%swap3A_610, %swap3A_611] {strides = array<i32>} : memref<128x128xf32, #tpu.memory_space<vmem>>, vector<1x16xf32>,
      %swap3A_613 = vector.shape_cast %swap3A_612 : vector<1x16xf32> to vector<16xf32>
      %swap3A_614 = vector.shape_cast %add3A_607 : vector<16xf32> to vector<1x16xf32>
      tpu.vector_store %arg8[%swap3A_610, %swap3A_611], %swap3A_614 {strides = array<i32>} : memref<128x128xf32, #tpu.memory_space<vmem>>, vector<1x16xf32>,
      %sub3A_615 = arith.subf %get3A_211, %gather3A_534 : vector<16xf32>
      %mul3A_616 = arith.mulf %sub3A_615, %gather3A_538 : vector<16xf32>
      %mul3A_617 = arith.mulf %mul3A_616, %get3A_25 : vector<16xf32>
      %add3A_618 = arith.addf %mul3A_617, %get3A_49 : vector<16xf32>
      %add3A_619 = arith.constant 0 : i32
      %add3A_620 = arith.addi %add3A_177, %add3A_619 : i32
      %swap3A_621 = arith.index_cast %add3A_620 : i32 to index
      %swap3A_622 = arith.constant 112 : index
      %swap3A_623 = tpu.vector_load %arg8[%swap3A_621, %swap3A_622] {strides = array<i32>} : memref<128x128xf32, #tpu.memory_space<vmem>>, vector<1x16xf32>,
      %swap3A_624 = vector.shape_cast %swap3A_623 : vector<1x16xf32> to vector<16xf32>
      %swap3A_625 = vector.shape_cast %add3A_618 : vector<16xf32> to vector<1x16xf32>
      tpu.vector_store %arg8[%swap3A_621, %swap3A_622], %swap3A_625 {strides = array<i32>} : memref<128x128xf32, #tpu.memory_space<vmem>>, vector<1x16xf32>,
      %broadcast_in_dim3A_626 = arith.constant 1 : i32
      %broadcast_in_dim3A_627 = vector.broadcast %broadcast_in_dim3A_626 : i32 to vector<16x1xi32>
      %gather3A_628 = vector.shape_cast %broadcast_in_dim3A_627 : vector<16x1xi32> to vector<16xi32>
      %gather3A_629 = tpu.dynamic_gather %mul3A_503[%gather3A_628] in [0] : vector<16xf32>, vector<16xi32> -> vector<16xf32>
      %broadcast_in_dim3A_630 = arith.constant 1 : i32
      %broadcast_in_dim3A_631 = vector.broadcast %broadcast_in_dim3A_630 : i32 to vector<16x1xi32>
      %gather3A_632 = vector.shape_cast %broadcast_in_dim3A_631 : vector<16x1xi32> to vector<16xi32>
      %gather3A_633 = tpu.dynamic_gather %mul3A_530[%gather3A_632] in [0] : vector<16xf32>, vector<16xi32> -> vector<16xf32>
      %sub3A_634 = arith.subf %get3A_262, %gather3A_629 : vector<16xf32>
      %mul3A_635 = arith.mulf %sub3A_634, %gather3A_633 : vector<16xf32>
      %mul3A_636 = arith.mulf %mul3A_635, %get3A_4 : vector<16xf32>
      %add3A_637 = arith.addf %mul3A_636, %get3A_28 : vector<16xf32>
      %add3A_638 = arith.constant 1 : i32
      %add3A_639 = arith.addi %add3A_177, %add3A_638 : i32
      %swap3A_640 = arith.index_cast %add3A_639 : i32 to index
      %swap3A_641 = arith.constant 0 : index
      %swap3A_642 = tpu.vector_load %arg8[%swap3A_640, %swap3A_641] {strides = array<i32>} : memref<128x128xf32, #tpu.memory_space<vmem>>, vector<1x16xf32>,
      %swap3A_643 = vector.shape_cast %swap3A_642 : vector<1x16xf32> to vector<16xf32>
      %swap3A_644 = vector.shape_cast %add3A_637 : vector<16xf32> to vector<1x16xf32>
      tpu.vector_store %arg8[%swap3A_640, %swap3A_641], %swap3A_644 {strides = array<i32>} : memref<128x128xf32, #tpu.memory_space<vmem>>, vector<1x16xf32>,
      %sub3A_645 = arith.subf %get3A_266, %gather3A_629 : vector<16xf32>
      %mul3A_646 = arith.mulf %sub3A_645, %gather3A_633 : vector<16xf32>
      %mul3A_647 = arith.mulf %mul3A_646, %get3A_7 : vector<16xf32>
      %add3A_648 = arith.addf %mul3A_647, %get3A_31 : vector<16xf32>
      %add3A_649 = arith.constant 1 : i32
      %add3A_650 = arith.addi %add3A_177, %add3A_649 : i32
      %swap3A_651 = arith.index_cast %add3A_650 : i32 to index
      %swap3A_652 = arith.constant 16 : index
      %swap3A_653 = tpu.vector_load %arg8[%swap3A_651, %swap3A_652] {strides = array<i32>} : memref<128x128xf32, #tpu.memory_space<vmem>>, vector<1x16xf32>,
      %swap3A_654 = vector.shape_cast %swap3A_653 : vector<1x16xf32> to vector<16xf32>
      %swap3A_655 = vector.shape_cast %add3A_648 : vector<16xf32> to vector<1x16xf32>
      tpu.vector_store %arg8[%swap3A_651, %swap3A_652], %swap3A_655 {strides = array<i32>} : memref<128x128xf32, #tpu.memory_space<vmem>>, vector<1x16xf32>,
      %sub3A_656 = arith.subf %get3A_270, %gather3A_629 : vector<16xf32>
      %mul3A_657 = arith.mulf %sub3A_656, %gather3A_633 : vector<16xf32>
      %mul3A_658 = arith.mulf %mul3A_657, %get3A_10 : vector<16xf32>
      %add3A_659 = arith.addf %mul3A_658, %get3A_34 : vector<16xf32>
      %add3A_660 = arith.constant 1 : i32
      %add3A_661 = arith.addi %add3A_177, %add3A_660 : i32
      %swap3A_662 = arith.index_cast %add3A_661 : i32 to index
      %swap3A_663 = arith.constant 32 : index
      %swap3A_664 = tpu.vector_load %arg8[%swap3A_662, %swap3A_663] {strides = array<i32>} : memref<128x128xf32, #tpu.memory_space<vmem>>, vector<1x16xf32>,
      %swap3A_665 = vector.shape_cast %swap3A_664 : vector<1x16xf32> to vector<16xf32>
      %swap3A_666 = vector.shape_cast %add3A_659 : vector<16xf32> to vector<1x16xf32>
      tpu.vector_store %arg8[%swap3A_662, %swap3A_663], %swap3A_666 {strides = array<i32>} : memref<128x128xf32, #tpu.memory_space<vmem>>, vector<1x16xf32>,
      %sub3A_667 = arith.subf %get3A_274, %gather3A_629 : vector<16xf32>
      %mul3A_668 = arith.mulf %sub3A_667, %gather3A_633 : vector<16xf32>
      %mul3A_669 = arith.mulf %mul3A_668, %get3A_13 : vector<16xf32>
      %add3A_670 = arith.addf %mul3A_669, %get3A_37 : vector<16xf32>
      %add3A_671 = arith.constant 1 : i32
      %add3A_672 = arith.addi %add3A_177, %add3A_671 : i32
      %swap3A_673 = arith.index_cast %add3A_672 : i32 to index
      %swap3A_674 = arith.constant 48 : index
      %swap3A_675 = tpu.vector_load %arg8[%swap3A_673, %swap3A_674] {strides = array<i32>} : memref<128x128xf32, #tpu.memory_space<vmem>>, vector<1x16xf32>,
      %swap3A_676 = vector.shape_cast %swap3A_675 : vector<1x16xf32> to vector<16xf32>
      %swap3A_677 = vector.shape_cast %add3A_670 : vector<16xf32> to vector<1x16xf32>
      tpu.vector_store %arg8[%swap3A_673, %swap3A_674], %swap3A_677 {strides = array<i32>} : memref<128x128xf32, #tpu.memory_space<vmem>>, vector<1x16xf32>,
      %sub3A_678 = arith.subf %get3A_278, %gather3A_629 : vector<16xf32>
      %mul3A_679 = arith.mulf %sub3A_678, %gather3A_633 : vector<16xf32>
      %mul3A_680 = arith.mulf %mul3A_679, %get3A_16 : vector<16xf32>
      %add3A_681 = arith.addf %mul3A_680, %get3A_40 : vector<16xf32>
      %add3A_682 = arith.constant 1 : i32
      %add3A_683 = arith.addi %add3A_177, %add3A_682 : i32
      %swap3A_684 = arith.index_cast %add3A_683 : i32 to index
      %swap3A_685 = arith.constant 64 : index
      %swap3A_686 = tpu.vector_load %arg8[%swap3A_684, %swap3A_685] {strides = array<i32>} : memref<128x128xf32, #tpu.memory_space<vmem>>, vector<1x16xf32>,
      %swap3A_687 = vector.shape_cast %swap3A_686 : vector<1x16xf32> to vector<16xf32>
      %swap3A_688 = vector.shape_cast %add3A_681 : vector<16xf32> to vector<1x16xf32>
      tpu.vector_store %arg8[%swap3A_684, %swap3A_685], %swap3A_688 {strides = array<i32>} : memref<128x128xf32, #tpu.memory_space<vmem>>, vector<1x16xf32>,
      %sub3A_689 = arith.subf %get3A_282, %gather3A_629 : vector<16xf32>
      %mul3A_690 = arith.mulf %sub3A_689, %gather3A_633 : vector<16xf32>
      %mul3A_691 = arith.mulf %mul3A_690, %get3A_19 : vector<16xf32>
      %add3A_692 = arith.addf %mul3A_691, %get3A_43 : vector<16xf32>
      %add3A_693 = arith.constant 1 : i32
      %add3A_694 = arith.addi %add3A_177, %add3A_693 : i32
      %swap3A_695 = arith.index_cast %add3A_694 : i32 to index
      %swap3A_696 = arith.constant 80 : index
      %swap3A_697 = tpu.vector_load %arg8[%swap3A_695, %swap3A_696] {strides = array<i32>} : memref<128x128xf32, #tpu.memory_space<vmem>>, vector<1x16xf32>,
      %swap3A_698 = vector.shape_cast %swap3A_697 : vector<1x16xf32> to vector<16xf32>
      %swap3A_699 = vector.shape_cast %add3A_692 : vector<16xf32> to vector<1x16xf32>
      tpu.vector_store %arg8[%swap3A_695, %swap3A_696], %swap3A_699 {strides = array<i32>} : memref<128x128xf32, #tpu.memory_space<vmem>>, vector<1x16xf32>,
      %sub3A_700 = arith.subf %get3A_286, %gather3A_629 : vector<16xf32>
      %mul3A_701 = arith.mulf %sub3A_700, %gather3A_633 : vector<16xf32>
      %mul3A_702 = arith.mulf %mul3A_701, %get3A_22 : vector<16xf32>
      %add3A_703 = arith.addf %mul3A_702, %get3A_46 : vector<16xf32>
      %add3A_704 = arith.constant 1 : i32
      %add3A_705 = arith.addi %add3A_177, %add3A_704 : i32
      %swap3A_706 = arith.index_cast %add3A_705 : i32 to index
      %swap3A_707 = arith.constant 96 : index
      %swap3A_708 = tpu.vector_load %arg8[%swap3A_706, %swap3A_707] {strides = array<i32>} : memref<128x128xf32, #tpu.memory_space<vmem>>, vector<1x16xf32>,
      %swap3A_709 = vector.shape_cast %swap3A_708 : vector<1x16xf32> to vector<16xf32>
      %swap3A_710 = vector.shape_cast %add3A_703 : vector<16xf32> to vector<1x16xf32>
      tpu.vector_store %arg8[%swap3A_706, %swap3A_707], %swap3A_710 {strides = array<i32>} : memref<128x128xf32, #tpu.memory_space<vmem>>, vector<1x16xf32>,
      %sub3A_711 = arith.subf %get3A_290, %gather3A_629 : vector<16xf32>
      %mul3A_712 = arith.mulf %sub3A_711, %gather3A_633 : vector<16xf32>
      %mul3A_713 = arith.mulf %mul3A_712, %get3A_25 : vector<16xf32>
      %add3A_714 = arith.addf %mul3A_713, %get3A_49 : vector<16xf32>
      %add3A_715 = arith.constant 1 : i32
      %add3A_716 = arith.addi %add3A_177, %add3A_715 : i32
      %swap3A_717 = arith.index_cast %add3A_716 : i32 to index
      %swap3A_718 = arith.constant 112 : index
      %swap3A_719 = tpu.vector_load %arg8[%swap3A_717, %swap3A_718] {strides = array<i32>} : memref<128x128xf32, #tpu.memory_space<vmem>>, vector<1x16xf32>,
      %swap3A_720 = vector.shape_cast %swap3A_719 : vector<1x16xf32> to vector<16xf32>
      %swap3A_721 = vector.shape_cast %add3A_714 : vector<16xf32> to vector<1x16xf32>
      tpu.vector_store %arg8[%swap3A_717, %swap3A_718], %swap3A_721 {strides = array<i32>} : memref<128x128xf32, #tpu.memory_space<vmem>>, vector<1x16xf32>,
      %broadcast_in_dim3A_722 = arith.constant 2 : i32
      %broadcast_in_dim3A_723 = vector.broadcast %broadcast_in_dim3A_722 : i32 to vector<16x1xi32>
      %gather3A_724 = vector.shape_cast %broadcast_in_dim3A_723 : vector<16x1xi32> to vector<16xi32>
      %gather3A_725 = tpu.dynamic_gather %mul3A_503[%gather3A_724] in [0] : vector<16xf32>, vector<16xi32> -> vector<16xf32>
      %broadcast_in_dim3A_726 = arith.constant 2 : i32
      %broadcast_in_dim3A_727 = vector.broadcast %broadcast_in_dim3A_726 : i32 to vector<16x1xi32>
      %gather3A_728 = vector.shape_cast %broadcast_in_dim3A_727 : vector<16x1xi32> to vector<16xi32>
      %gather3A_729 = tpu.dynamic_gather %mul3A_530[%gather3A_728] in [0] : vector<16xf32>, vector<16xi32> -> vector<16xf32>
      %sub3A_730 = arith.subf %get3A_342, %gather3A_725 : vector<16xf32>
      %mul3A_731 = arith.mulf %sub3A_730, %gather3A_729 : vector<16xf32>
      %mul3A_732 = arith.mulf %mul3A_731, %get3A_4 : vector<16xf32>
      %add3A_733 = arith.addf %mul3A_732, %get3A_28 : vector<16xf32>
      %add3A_734 = arith.constant 2 : i32
      %add3A_735 = arith.addi %add3A_177, %add3A_734 : i32
      %swap3A_736 = arith.index_cast %add3A_735 : i32 to index
      %swap3A_737 = arith.constant 0 : index
      %swap3A_738 = tpu.vector_load %arg8[%swap3A_736, %swap3A_737] {strides = array<i32>} : memref<128x128xf32, #tpu.memory_space<vmem>>, vector<1x16xf32>,
      %swap3A_739 = vector.shape_cast %swap3A_738 : vector<1x16xf32> to vector<16xf32>
      %swap3A_740 = vector.shape_cast %add3A_733 : vector<16xf32> to vector<1x16xf32>
      tpu.vector_store %arg8[%swap3A_736, %swap3A_737], %swap3A_740 {strides = array<i32>} : memref<128x128xf32, #tpu.memory_space<vmem>>, vector<1x16xf32>,
      %sub3A_741 = arith.subf %get3A_346, %gather3A_725 : vector<16xf32>
      %mul3A_742 = arith.mulf %sub3A_741, %gather3A_729 : vector<16xf32>
      %mul3A_743 = arith.mulf %mul3A_742, %get3A_7 : vector<16xf32>
      %add3A_744 = arith.addf %mul3A_743, %get3A_31 : vector<16xf32>
      %add3A_745 = arith.constant 2 : i32
      %add3A_746 = arith.addi %add3A_177, %add3A_745 : i32
      %swap3A_747 = arith.index_cast %add3A_746 : i32 to index
      %swap3A_748 = arith.constant 16 : index
      %swap3A_749 = tpu.vector_load %arg8[%swap3A_747, %swap3A_748] {strides = array<i32>} : memref<128x128xf32, #tpu.memory_space<vmem>>, vector<1x16xf32>,
      %swap3A_750 = vector.shape_cast %swap3A_749 : vector<1x16xf32> to vector<16xf32>
      %swap3A_751 = vector.shape_cast %add3A_744 : vector<16xf32> to vector<1x16xf32>
      tpu.vector_store %arg8[%swap3A_747, %swap3A_748], %swap3A_751 {strides = array<i32>} : memref<128x128xf32, #tpu.memory_space<vmem>>, vector<1x16xf32>,
      %sub3A_752 = arith.subf %get3A_350, %gather3A_725 : vector<16xf32>
      %mul3A_753 = arith.mulf %sub3A_752, %gather3A_729 : vector<16xf32>
      %mul3A_754 = arith.mulf %mul3A_753, %get3A_10 : vector<16xf32>
      %add3A_755 = arith.addf %mul3A_754, %get3A_34 : vector<16xf32>
      %add3A_756 = arith.constant 2 : i32
      %add3A_757 = arith.addi %add3A_177, %add3A_756 : i32
      %swap3A_758 = arith.index_cast %add3A_757 : i32 to index
      %swap3A_759 = arith.constant 32 : index
      %swap3A_760 = tpu.vector_load %arg8[%swap3A_758, %swap3A_759] {strides = array<i32>} : memref<128x128xf32, #tpu.memory_space<vmem>>, vector<1x16xf32>,
      %swap3A_761 = vector.shape_cast %swap3A_760 : vector<1x16xf32> to vector<16xf32>
      %swap3A_762 = vector.shape_cast %add3A_755 : vector<16xf32> to vector<1x16xf32>
      tpu.vector_store %arg8[%swap3A_758, %swap3A_759], %swap3A_762 {strides = array<i32>} : memref<128x128xf32, #tpu.memory_space<vmem>>, vector<1x16xf32>,
      %sub3A_763 = arith.subf %get3A_354, %gather3A_725 : vector<16xf32>
      %mul3A_764 = arith.mulf %sub3A_763, %gather3A_729 : vector<16xf32>
      %mul3A_765 = arith.mulf %mul3A_764, %get3A_13 : vector<16xf32>
      %add3A_766 = arith.addf %mul3A_765, %get3A_37 : vector<16xf32>
      %add3A_767 = arith.constant 2 : i32
      %add3A_768 = arith.addi %add3A_177, %add3A_767 : i32
      %swap3A_769 = arith.index_cast %add3A_768 : i32 to index
      %swap3A_770 = arith.constant 48 : index
      %swap3A_771 = tpu.vector_load %arg8[%swap3A_769, %swap3A_770] {strides = array<i32>} : memref<128x128xf32, #tpu.memory_space<vmem>>, vector<1x16xf32>,
      %swap3A_772 = vector.shape_cast %swap3A_771 : vector<1x16xf32> to vector<16xf32>
      %swap3A_773 = vector.shape_cast %add3A_766 : vector<16xf32> to vector<1x16xf32>
      tpu.vector_store %arg8[%swap3A_769, %swap3A_770], %swap3A_773 {strides = array<i32>} : memref<128x128xf32, #tpu.memory_space<vmem>>, vector<1x16xf32>,
      %sub3A_774 = arith.subf %get3A_358, %gather3A_725 : vector<16xf32>
      %mul3A_775 = arith.mulf %sub3A_774, %gather3A_729 : vector<16xf32>
      %mul3A_776 = arith.mulf %mul3A_775, %get3A_16 : vector<16xf32>
      %add3A_777 = arith.addf %mul3A_776, %get3A_40 : vector<16xf32>
      %add3A_778 = arith.constant 2 : i32
      %add3A_779 = arith.addi %add3A_177, %add3A_778 : i32
      %swap3A_780 = arith.index_cast %add3A_779 : i32 to index
      %swap3A_781 = arith.constant 64 : index
      %swap3A_782 = tpu.vector_load %arg8[%swap3A_780, %swap3A_781] {strides = array<i32>} : memref<128x128xf32, #tpu.memory_space<vmem>>, vector<1x16xf32>,
      %swap3A_783 = vector.shape_cast %swap3A_782 : vector<1x16xf32> to vector<16xf32>
      %swap3A_784 = vector.shape_cast %add3A_777 : vector<16xf32> to vector<1x16xf32>
      tpu.vector_store %arg8[%swap3A_780, %swap3A_781], %swap3A_784 {strides = array<i32>} : memref<128x128xf32, #tpu.memory_space<vmem>>, vector<1x16xf32>,
      %sub3A_785 = arith.subf %get3A_362, %gather3A_725 : vector<16xf32>
      %mul3A_786 = arith.mulf %sub3A_785, %gather3A_729 : vector<16xf32>
      %mul3A_787 = arith.mulf %mul3A_786, %get3A_19 : vector<16xf32>
      %add3A_788 = arith.addf %mul3A_787, %get3A_43 : vector<16xf32>
      %add3A_789 = arith.constant 2 : i32
      %add3A_790 = arith.addi %add3A_177, %add3A_789 : i32
      %swap3A_791 = arith.index_cast %add3A_790 : i32 to index
      %swap3A_792 = arith.constant 80 : index
      %swap3A_793 = tpu.vector_load %arg8[%swap3A_791, %swap3A_792] {strides = array<i32>} : memref<128x128xf32, #tpu.memory_space<vmem>>, vector<1x16xf32>,
      %swap3A_794 = vector.shape_cast %swap3A_793 : vector<1x16xf32> to vector<16xf32>
      %swap3A_795 = vector.shape_cast %add3A_788 : vector<16xf32> to vector<1x16xf32>
      tpu.vector_store %arg8[%swap3A_791, %swap3A_792], %swap3A_795 {strides = array<i32>} : memref<128x128xf32, #tpu.memory_space<vmem>>, vector<1x16xf32>,
      %sub3A_796 = arith.subf %get3A_366, %gather3A_725 : vector<16xf32>
      %mul3A_797 = arith.mulf %sub3A_796, %gather3A_729 : vector<16xf32>
      %mul3A_798 = arith.mulf %mul3A_797, %get3A_22 : vector<16xf32>
      %add3A_799 = arith.addf %mul3A_798, %get3A_46 : vector<16xf32>
      %add3A_800 = arith.constant 2 : i32
      %add3A_801 = arith.addi %add3A_177, %add3A_800 : i32
      %swap3A_802 = arith.index_cast %add3A_801 : i32 to index
      %swap3A_803 = arith.constant 96 : index
      %swap3A_804 = tpu.vector_load %arg8[%swap3A_802, %swap3A_803] {strides = array<i32>} : memref<128x128xf32, #tpu.memory_space<vmem>>, vector<1x16xf32>,
      %swap3A_805 = vector.shape_cast %swap3A_804 : vector<1x16xf32> to vector<16xf32>
      %swap3A_806 = vector.shape_cast %add3A_799 : vector<16xf32> to vector<1x16xf32>
      tpu.vector_store %arg8[%swap3A_802, %swap3A_803], %swap3A_806 {strides = array<i32>} : memref<128x128xf32, #tpu.memory_space<vmem>>, vector<1x16xf32>,
      %sub3A_807 = arith.subf %get3A_370, %gather3A_725 : vector<16xf32>
      %mul3A_808 = arith.mulf %sub3A_807, %gather3A_729 : vector<16xf32>
      %mul3A_809 = arith.mulf %mul3A_808, %get3A_25 : vector<16xf32>
      %add3A_810 = arith.addf %mul3A_809, %get3A_49 : vector<16xf32>
      %add3A_811 = arith.constant 2 : i32
      %add3A_812 = arith.addi %add3A_177, %add3A_811 : i32
      %swap3A_813 = arith.index_cast %add3A_812 : i32 to index
      %swap3A_814 = arith.constant 112 : index
      %swap3A_815 = tpu.vector_load %arg8[%swap3A_813, %swap3A_814] {strides = array<i32>} : memref<128x128xf32, #tpu.memory_space<vmem>>, vector<1x16xf32>,
      %swap3A_816 = vector.shape_cast %swap3A_815 : vector<1x16xf32> to vector<16xf32>
      %swap3A_817 = vector.shape_cast %add3A_810 : vector<16xf32> to vector<1x16xf32>
      tpu.vector_store %arg8[%swap3A_813, %swap3A_814], %swap3A_817 {strides = array<i32>} : memref<128x128xf32, #tpu.memory_space<vmem>>, vector<1x16xf32>,
      %broadcast_in_dim3A_818 = arith.constant 3 : i32
      %broadcast_in_dim3A_819 = vector.broadcast %broadcast_in_dim3A_818 : i32 to vector<16x1xi32>
      %gather3A_820 = vector.shape_cast %broadcast_in_dim3A_819 : vector<16x1xi32> to vector<16xi32>
      %gather3A_821 = tpu.dynamic_gather %mul3A_503[%gather3A_820] in [0] : vector<16xf32>, vector<16xi32> -> vector<16xf32>
      %broadcast_in_dim3A_822 = arith.constant 3 : i32
      %broadcast_in_dim3A_823 = vector.broadcast %broadcast_in_dim3A_822 : i32 to vector<16x1xi32>
      %gather3A_824 = vector.shape_cast %broadcast_in_dim3A_823 : vector<16x1xi32> to vector<16xi32>
      %gather3A_825 = tpu.dynamic_gather %mul3A_530[%gather3A_824] in [0] : vector<16xf32>, vector<16xi32> -> vector<16xf32>
      %sub3A_826 = arith.subf %get3A_422, %gather3A_821 : vector<16xf32>
      %mul3A_827 = arith.mulf %sub3A_826, %gather3A_825 : vector<16xf32>
      %mul3A_828 = arith.mulf %mul3A_827, %get3A_4 : vector<16xf32>
      %add3A_829 = arith.addf %mul3A_828, %get3A_28 : vector<16xf32>
      %add3A_830 = arith.constant 3 : i32
      %add3A_831 = arith.addi %add3A_177, %add3A_830 : i32
      %swap3A_832 = arith.index_cast %add3A_831 : i32 to index
      %swap3A_833 = arith.constant 0 : index
      %swap3A_834 = tpu.vector_load %arg8[%swap3A_832, %swap3A_833] {strides = array<i32>} : memref<128x128xf32, #tpu.memory_space<vmem>>, vector<1x16xf32>,
      %swap3A_835 = vector.shape_cast %swap3A_834 : vector<1x16xf32> to vector<16xf32>
      %swap3A_836 = vector.shape_cast %add3A_829 : vector<16xf32> to vector<1x16xf32>
      tpu.vector_store %arg8[%swap3A_832, %swap3A_833], %swap3A_836 {strides = array<i32>} : memref<128x128xf32, #tpu.memory_space<vmem>>, vector<1x16xf32>,
      %sub3A_837 = arith.subf %get3A_426, %gather3A_821 : vector<16xf32>
      %mul3A_838 = arith.mulf %sub3A_837, %gather3A_825 : vector<16xf32>
      %mul3A_839 = arith.mulf %mul3A_838, %get3A_7 : vector<16xf32>
      %add3A_840 = arith.addf %mul3A_839, %get3A_31 : vector<16xf32>
      %add3A_841 = arith.constant 3 : i32
      %add3A_842 = arith.addi %add3A_177, %add3A_841 : i32
      %swap3A_843 = arith.index_cast %add3A_842 : i32 to index
      %swap3A_844 = arith.constant 16 : index
      %swap3A_845 = tpu.vector_load %arg8[%swap3A_843, %swap3A_844] {strides = array<i32>} : memref<128x128xf32, #tpu.memory_space<vmem>>, vector<1x16xf32>,
      %swap3A_846 = vector.shape_cast %swap3A_845 : vector<1x16xf32> to vector<16xf32>
      %swap3A_847 = vector.shape_cast %add3A_840 : vector<16xf32> to vector<1x16xf32>
      tpu.vector_store %arg8[%swap3A_843, %swap3A_844], %swap3A_847 {strides = array<i32>} : memref<128x128xf32, #tpu.memory_space<vmem>>, vector<1x16xf32>,
      %sub3A_848 = arith.subf %get3A_430, %gather3A_821 : vector<16xf32>
      %mul3A_849 = arith.mulf %sub3A_848, %gather3A_825 : vector<16xf32>
      %mul3A_850 = arith.mulf %mul3A_849, %get3A_10 : vector<16xf32>
      %add3A_851 = arith.addf %mul3A_850, %get3A_34 : vector<16xf32>
      %add3A_852 = arith.constant 3 : i32
      %add3A_853 = arith.addi %add3A_177, %add3A_852 : i32
      %swap3A_854 = arith.index_cast %add3A_853 : i32 to index
      %swap3A_855 = arith.constant 32 : index
      %swap3A_856 = tpu.vector_load %arg8[%swap3A_854, %swap3A_855] {strides = array<i32>} : memref<128x128xf32, #tpu.memory_space<vmem>>, vector<1x16xf32>,
      %swap3A_857 = vector.shape_cast %swap3A_856 : vector<1x16xf32> to vector<16xf32>
      %swap3A_858 = vector.shape_cast %add3A_851 : vector<16xf32> to vector<1x16xf32>
      tpu.vector_store %arg8[%swap3A_854, %swap3A_855], %swap3A_858 {strides = array<i32>} : memref<128x128xf32, #tpu.memory_space<vmem>>, vector<1x16xf32>,
      %sub3A_859 = arith.subf %get3A_434, %gather3A_821 : vector<16xf32>
      %mul3A_860 = arith.mulf %sub3A_859, %gather3A_825 : vector<16xf32>
      %mul3A_861 = arith.mulf %mul3A_860, %get3A_13 : vector<16xf32>
      %add3A_862 = arith.addf %mul3A_861, %get3A_37 : vector<16xf32>
      %add3A_863 = arith.constant 3 : i32
      %add3A_864 = arith.addi %add3A_177, %add3A_863 : i32
      %swap3A_865 = arith.index_cast %add3A_864 : i32 to index
      %swap3A_866 = arith.constant 48 : index
      %swap3A_867 = tpu.vector_load %arg8[%swap3A_865, %swap3A_866] {strides = array<i32>} : memref<128x128xf32, #tpu.memory_space<vmem>>, vector<1x16xf32>,
      %swap3A_868 = vector.shape_cast %swap3A_867 : vector<1x16xf32> to vector<16xf32>
      %swap3A_869 = vector.shape_cast %add3A_862 : vector<16xf32> to vector<1x16xf32>
      tpu.vector_store %arg8[%swap3A_865, %swap3A_866], %swap3A_869 {strides = array<i32>} : memref<128x128xf32, #tpu.memory_space<vmem>>, vector<1x16xf32>,
      %sub3A_870 = arith.subf %get3A_438, %gather3A_821 : vector<16xf32>
      %mul3A_871 = arith.mulf %sub3A_870, %gather3A_825 : vector<16xf32>
      %mul3A_872 = arith.mulf %mul3A_871, %get3A_16 : vector<16xf32>
      %add3A_873 = arith.addf %mul3A_872, %get3A_40 : vector<16xf32>
      %add3A_874 = arith.constant 3 : i32
      %add3A_875 = arith.addi %add3A_177, %add3A_874 : i32
      %swap3A_876 = arith.index_cast %add3A_875 : i32 to index
      %swap3A_877 = arith.constant 64 : index
      %swap3A_878 = tpu.vector_load %arg8[%swap3A_876, %swap3A_877] {strides = array<i32>} : memref<128x128xf32, #tpu.memory_space<vmem>>, vector<1x16xf32>,
      %swap3A_879 = vector.shape_cast %swap3A_878 : vector<1x16xf32> to vector<16xf32>
      %swap3A_880 = vector.shape_cast %add3A_873 : vector<16xf32> to vector<1x16xf32>
      tpu.vector_store %arg8[%swap3A_876, %swap3A_877], %swap3A_880 {strides = array<i32>} : memref<128x128xf32, #tpu.memory_space<vmem>>, vector<1x16xf32>,
      %sub3A_881 = arith.subf %get3A_442, %gather3A_821 : vector<16xf32>
      %mul3A_882 = arith.mulf %sub3A_881, %gather3A_825 : vector<16xf32>
      %mul3A_883 = arith.mulf %mul3A_882, %get3A_19 : vector<16xf32>
      %add3A_884 = arith.addf %mul3A_883, %get3A_43 : vector<16xf32>
      %add3A_885 = arith.constant 3 : i32
      %add3A_886 = arith.addi %add3A_177, %add3A_885 : i32
      %swap3A_887 = arith.index_cast %add3A_886 : i32 to index
      %swap3A_888 = arith.constant 80 : index
      %swap3A_889 = tpu.vector_load %arg8[%swap3A_887, %swap3A_888] {strides = array<i32>} : memref<128x128xf32, #tpu.memory_space<vmem>>, vector<1x16xf32>,
      %swap3A_890 = vector.shape_cast %swap3A_889 : vector<1x16xf32> to vector<16xf32>
      %swap3A_891 = vector.shape_cast %add3A_884 : vector<16xf32> to vector<1x16xf32>
      tpu.vector_store %arg8[%swap3A_887, %swap3A_888], %swap3A_891 {strides = array<i32>} : memref<128x128xf32, #tpu.memory_space<vmem>>, vector<1x16xf32>,
      %sub3A_892 = arith.subf %get3A_446, %gather3A_821 : vector<16xf32>
      %mul3A_893 = arith.mulf %sub3A_892, %gather3A_825 : vector<16xf32>
      %mul3A_894 = arith.mulf %mul3A_893, %get3A_22 : vector<16xf32>
      %add3A_895 = arith.addf %mul3A_894, %get3A_46 : vector<16xf32>
      %add3A_896 = arith.constant 3 : i32
      %add3A_897 = arith.addi %add3A_177, %add3A_896 : i32
      %swap3A_898 = arith.index_cast %add3A_897 : i32 to index
      %swap3A_899 = arith.constant 96 : index
      %swap3A_900 = tpu.vector_load %arg8[%swap3A_898, %swap3A_899] {strides = array<i32>} : memref<128x128xf32, #tpu.memory_space<vmem>>, vector<1x16xf32>,
      %swap3A_901 = vector.shape_cast %swap3A_900 : vector<1x16xf32> to vector<16xf32>
      %swap3A_902 = vector.shape_cast %add3A_895 : vector<16xf32> to vector<1x16xf32>
      tpu.vector_store %arg8[%swap3A_898, %swap3A_899], %swap3A_902 {strides = array<i32>} : memref<128x128xf32, #tpu.memory_space<vmem>>, vector<1x16xf32>,
      %sub3A_903 = arith.subf %get3A_450, %gather3A_821 : vector<16xf32>
      %mul3A_904 = arith.mulf %sub3A_903, %gather3A_825 : vector<16xf32>
      %mul3A_905 = arith.mulf %mul3A_904, %get3A_25 : vector<16xf32>
      %add3A_906 = arith.addf %mul3A_905, %get3A_49 : vector<16xf32>
      %add3A_907 = arith.constant 3 : i32
      %add3A_908 = arith.addi %add3A_177, %add3A_907 : i32
      %swap3A_909 = arith.index_cast %add3A_908 : i32 to index
      %swap3A_910 = arith.constant 112 : index
      %swap3A_911 = tpu.vector_load %arg8[%swap3A_909, %swap3A_910] {strides = array<i32>} : memref<128x128xf32, #tpu.memory_space<vmem>>, vector<1x16xf32>,
      %swap3A_912 = vector.shape_cast %swap3A_911 : vector<1x16xf32> to vector<16xf32>
      %swap3A_913 = vector.shape_cast %add3A_906 : vector<16xf32> to vector<1x16xf32>
      tpu.vector_store %arg8[%swap3A_909, %swap3A_910], %swap3A_913 {strides = array<i32>} : memref<128x128xf32, #tpu.memory_space<vmem>>, vector<1x16xf32>,
    }
    %scan3A_109 = arith.constant 16 : i32
    %add3A_110 = arith.constant 0 : i32
    %add3A_111 = arith.addi %mul3A_2, %add3A_110 : i32
    %dma_start3A_112 = arith.constant 0 : i32
    %dma_start3A_113 = arith.constant 0 : i32
    %dma_start3A_114 = tpu.memref_slice %arg8[%dma_start3A_112, %dma_start3A_113] : memref<128x128xf32, #tpu.memory_space<vmem>> -> memref<64x128xf32, #tpu.memory_space<vmem>>
    %dma_start3A_115 = arith.constant 0 : i32
    %dma_start3A_116 = tpu.memref_slice %arg6[%add3A_111, %dma_start3A_115] : memref<4096x128xf32, #tpu.memory_space<hbm>> -> memref<64x128xf32, #tpu.memory_space<hbm>>
    %dma_start3A_117 = arith.constant 0 : i32
    %dma_start3A_118 = tpu.memref_slice %arg6[%add3A_111, %dma_start3A_117] : memref<4096x128xf32, #tpu.memory_space<hbm>> -> memref<64x128xf32, #tpu.memory_space<hbm>>
    %dma_start3A_119 = arith.constant 0 : i32
    %dma_start3A_120 = arith.constant 0 : i32
    %dma_start3A_121 = tpu.memref_slice %arg8[%dma_start3A_119, %dma_start3A_120] : memref<128x128xf32, #tpu.memory_space<vmem>> -> memref<64x128xf32, #tpu.memory_space<vmem>>
    tpu.enqueue_dma source(%dma_start3A_121 : memref<64x128xf32, #tpu.memory_space<vmem>>) target(%dma_start3A_118 : memref<64x128xf32, #tpu.memory_space<hbm>>) target_semaphore(%arg15 : memref<!tpu.dma_semaphore, #tpu.memory_space<semaphore_mem>>)
    %dma_wait3A_122 = arith.constant 64 : i32
    %dma_wait3A_123 = arith.constant 0 : i32
    %dma_wait3A_124 = tpu.memref_slice %arg8[%dma_wait3A_122, %dma_wait3A_123] : memref<128x128xf32, #tpu.memory_space<vmem>> -> memref<64x128xf32, #tpu.memory_space<vmem>>
    %dma_wait3A_125 = arith.constant 64 : i32
    %dma_wait3A_126 = tpu.memref_slice %arg7[%dma_wait3A_125] : memref<128xi32, #tpu.memory_space<vmem>> -> memref<64xi32, #tpu.memory_space<vmem>>
    %dma_wait3A_127 = arith.constant 0 : i32
    %dma_wait3A_128 = arith.constant 0 : i32
    %dma_wait3A_129 = tpu.memref_slice %arg3[%dma_wait3A_127, %dma_wait3A_128] : memref<100000x128xf32, #tpu.memory_space<hbm>> -> memref<100000x128xf32, #tpu.memory_space<hbm>>
    tpu.wait_indirect_dma semaphore(%arg12 : memref<!tpu.dma_semaphore, #tpu.memory_space<semaphore_mem>>) src(%dma_wait3A_129 : memref<100000x128xf32, #tpu.memory_space<hbm>>) dst(%dma_wait3A_124 : memref<64x128xf32, #tpu.memory_space<vmem>>)
    %scan3A_130 = arith.constant 0 : i32
    %scan3A_131 = arith.constant 7.812500e-03 : f32
    %scan3A_132 = arith.constant 0 : i32
    %scan3A_133 = arith.constant 16 : i32
    %scan3A_134 = arith.addi %scan3A_132, %scan3A_133 : i32
    %scan3A_135 = arith.constant 1 : i32
    scf.for %scan3A_173 = %scan3A_132 to %scan3A_134 step %scan3A_135  : i32 {
      %mul3A_174 = arith.constant 4 : i32
      %mul3A_175 = arith.muli %scan3A_173, %mul3A_174 : i32
      %add3A_176 = arith.constant 64 : i32
      %add3A_177 = arith.addi %add3A_176, %mul3A_175 : i32
      %add3A_178 = arith.constant 0 : i32
      %add3A_179 = arith.addi %add3A_177, %add3A_178 : i32
      %get3A_180 = arith.index_cast %add3A_179 : i32 to index
      %get3A_181 = arith.constant 0 : index
      %get3A_182 = tpu.vector_load %arg8[%get3A_180, %get3A_181] {strides = array<i32>} : memref<128x128xf32, #tpu.memory_space<vmem>>, vector<1x16xf32>,
      %get3A_183 = vector.shape_cast %get3A_182 : vector<1x16xf32> to vector<16xf32>
      %get3A_184 = arith.index_cast %add3A_179 : i32 to index
      %get3A_185 = arith.constant 16 : index
      %get3A_186 = tpu.vector_load %arg8[%get3A_184, %get3A_185] {strides = array<i32>} : memref<128x128xf32, #tpu.memory_space<vmem>>, vector<1x16xf32>,
      %get3A_187 = vector.shape_cast %get3A_186 : vector<1x16xf32> to vector<16xf32>
      %get3A_188 = arith.index_cast %add3A_179 : i32 to index
      %get3A_189 = arith.constant 32 : index
      %get3A_190 = tpu.vector_load %arg8[%get3A_188, %get3A_189] {strides = array<i32>} : memref<128x128xf32, #tpu.memory_space<vmem>>, vector<1x16xf32>,
      %get3A_191 = vector.shape_cast %get3A_190 : vector<1x16xf32> to vector<16xf32>
      %get3A_192 = arith.index_cast %add3A_179 : i32 to index
      %get3A_193 = arith.constant 48 : index
      %get3A_194 = tpu.vector_load %arg8[%get3A_192, %get3A_193] {strides = array<i32>} : memref<128x128xf32, #tpu.memory_space<vmem>>, vector<1x16xf32>,
      %get3A_195 = vector.shape_cast %get3A_194 : vector<1x16xf32> to vector<16xf32>
      %get3A_196 = arith.index_cast %add3A_179 : i32 to index
      %get3A_197 = arith.constant 64 : index
      %get3A_198 = tpu.vector_load %arg8[%get3A_196, %get3A_197] {strides = array<i32>} : memref<128x128xf32, #tpu.memory_space<vmem>>, vector<1x16xf32>,
      %get3A_199 = vector.shape_cast %get3A_198 : vector<1x16xf32> to vector<16xf32>
      %get3A_200 = arith.index_cast %add3A_179 : i32 to index
      %get3A_201 = arith.constant 80 : index
      %get3A_202 = tpu.vector_load %arg8[%get3A_200, %get3A_201] {strides = array<i32>} : memref<128x128xf32, #tpu.memory_space<vmem>>, vector<1x16xf32>,
      %get3A_203 = vector.shape_cast %get3A_202 : vector<1x16xf32> to vector<16xf32>
      %get3A_204 = arith.index_cast %add3A_179 : i32 to index
      %get3A_205 = arith.constant 96 : index
      %get3A_206 = tpu.vector_load %arg8[%get3A_204, %get3A_205] {strides = array<i32>} : memref<128x128xf32, #tpu.memory_space<vmem>>, vector<1x16xf32>,
      %get3A_207 = vector.shape_cast %get3A_206 : vector<1x16xf32> to vector<16xf32>
      %get3A_208 = arith.index_cast %add3A_179 : i32 to index
      %get3A_209 = arith.constant 112 : index
      %get3A_210 = tpu.vector_load %arg8[%get3A_208, %get3A_209] {strides = array<i32>} : memref<128x128xf32, #tpu.memory_space<vmem>>, vector<1x16xf32>,
      %get3A_211 = vector.shape_cast %get3A_210 : vector<1x16xf32> to vector<16xf32>
      %mul3A_212 = arith.mulf %get3A_183, %get3A_183 : vector<16xf32>
      %add3A_213 = arith.addf %get3A_183, %get3A_187 : vector<16xf32>
      %mul3A_214 = arith.mulf %get3A_187, %get3A_187 : vector<16xf32>
      %add3A_215 = arith.addf %mul3A_212, %mul3A_214 : vector<16xf32>
      %add3A_216 = arith.addf %add3A_213, %get3A_191 : vector<16xf32>
      %mul3A_217 = arith.mulf %get3A_191, %get3A_191 : vector<16xf32>
      %add3A_218 = arith.addf %add3A_215, %mul3A_217 : vector<16xf32>
      %add3A_219 = arith.addf %add3A_216, %get3A_195 : vector<16xf32>
      %mul3A_220 = arith.mulf %get3A_195, %get3A_195 : vector<16xf32>
      %add3A_221 = arith.addf %add3A_218, %mul3A_220 : vector<16xf32>
      %add3A_222 = arith.addf %add3A_219, %get3A_199 : vector<16xf32>
      %mul3A_223 = arith.mulf %get3A_199, %get3A_199 : vector<16xf32>
      %add3A_224 = arith.addf %add3A_221, %mul3A_223 : vector<16xf32>
      %add3A_225 = arith.addf %add3A_222, %get3A_203 : vector<16xf32>
      %mul3A_226 = arith.mulf %get3A_203, %get3A_203 : vector<16xf32>
      %add3A_227 = arith.addf %add3A_224, %mul3A_226 : vector<16xf32>
      %add3A_228 = arith.addf %add3A_225, %get3A_207 : vector<16xf32>
      %mul3A_229 = arith.mulf %get3A_207, %get3A_207 : vector<16xf32>
      %add3A_230 = arith.addf %add3A_227, %mul3A_229 : vector<16xf32>
      %add3A_231 = arith.addf %add3A_228, %get3A_211 : vector<16xf32>
      %mul3A_232 = arith.mulf %get3A_211, %get3A_211 : vector<16xf32>
      %add3A_233 = arith.addf %add3A_230, %mul3A_232 : vector<16xf32>
      %gather3A = vector.shape_cast %broadcast_in_dim3A : vector<16x1xi32> to vector<16xi32>
      %gather3A_234 = tpu.dynamic_gather %add3A_231[%gather3A] in [0] : vector<16xf32>, vector<16xi32> -> vector<16xf32>
      %add3A_235 = arith.addf %add3A_231, %gather3A_234 : vector<16xf32>
      %gather3A_236 = vector.shape_cast %broadcast_in_dim3A_56 : vector<16x1xi32> to vector<16xi32>
      %gather3A_237 = tpu.dynamic_gather %add3A_235[%gather3A_236] in [0] : vector<16xf32>, vector<16xi32> -> vector<16xf32>
      %add3A_238 = arith.addf %add3A_235, %gather3A_237 : vector<16xf32>
      %gather3A_239 = vector.shape_cast %broadcast_in_dim3A_61 : vector<16x1xi32> to vector<16xi32>
      %gather3A_240 = tpu.dynamic_gather %add3A_238[%gather3A_239] in [0] : vector<16xf32>, vector<16xi32> -> vector<16xf32>
      %add3A_241 = arith.addf %add3A_238, %gather3A_240 : vector<16xf32>
      %gather3A_242 = vector.shape_cast %broadcast_in_dim3A_66 : vector<16x1xi32> to vector<16xi32>
      %gather3A_243 = tpu.dynamic_gather %add3A_241[%gather3A_242] in [0] : vector<16xf32>, vector<16xi32> -> vector<16xf32>
      %add3A_244 = arith.addf %add3A_241, %gather3A_243 : vector<16xf32>
      %gather3A_245 = vector.shape_cast %broadcast_in_dim3A : vector<16x1xi32> to vector<16xi32>
      %gather3A_246 = tpu.dynamic_gather %add3A_233[%gather3A_245] in [0] : vector<16xf32>, vector<16xi32> -> vector<16xf32>
      %add3A_247 = arith.addf %add3A_233, %gather3A_246 : vector<16xf32>
      %gather3A_248 = vector.shape_cast %broadcast_in_dim3A_56 : vector<16x1xi32> to vector<16xi32>
      %gather3A_249 = tpu.dynamic_gather %add3A_247[%gather3A_248] in [0] : vector<16xf32>, vector<16xi32> -> vector<16xf32>
      %add3A_250 = arith.addf %add3A_247, %gather3A_249 : vector<16xf32>
      %gather3A_251 = vector.shape_cast %broadcast_in_dim3A_61 : vector<16x1xi32> to vector<16xi32>
      %gather3A_252 = tpu.dynamic_gather %add3A_250[%gather3A_251] in [0] : vector<16xf32>, vector<16xi32> -> vector<16xf32>
      %add3A_253 = arith.addf %add3A_250, %gather3A_252 : vector<16xf32>
      %gather3A_254 = vector.shape_cast %broadcast_in_dim3A_66 : vector<16x1xi32> to vector<16xi32>
      %gather3A_255 = tpu.dynamic_gather %add3A_253[%gather3A_254] in [0] : vector<16xf32>, vector<16xi32> -> vector<16xf32>
      %add3A_256 = arith.addf %add3A_253, %gather3A_255 : vector<16xf32>
      %add3A_257 = arith.constant 1 : i32
      %add3A_258 = arith.addi %add3A_177, %add3A_257 : i32
      %get3A_259 = arith.index_cast %add3A_258 : i32 to index
      %get3A_260 = arith.constant 0 : index
      %get3A_261 = tpu.vector_load %arg8[%get3A_259, %get3A_260] {strides = array<i32>} : memref<128x128xf32, #tpu.memory_space<vmem>>, vector<1x16xf32>,
      %get3A_262 = vector.shape_cast %get3A_261 : vector<1x16xf32> to vector<16xf32>
      %get3A_263 = arith.index_cast %add3A_258 : i32 to index
      %get3A_264 = arith.constant 16 : index
      %get3A_265 = tpu.vector_load %arg8[%get3A_263, %get3A_264] {strides = array<i32>} : memref<128x128xf32, #tpu.memory_space<vmem>>, vector<1x16xf32>,
      %get3A_266 = vector.shape_cast %get3A_265 : vector<1x16xf32> to vector<16xf32>
      %get3A_267 = arith.index_cast %add3A_258 : i32 to index
      %get3A_268 = arith.constant 32 : index
      %get3A_269 = tpu.vector_load %arg8[%get3A_267, %get3A_268] {strides = array<i32>} : memref<128x128xf32, #tpu.memory_space<vmem>>, vector<1x16xf32>,
      %get3A_270 = vector.shape_cast %get3A_269 : vector<1x16xf32> to vector<16xf32>
      %get3A_271 = arith.index_cast %add3A_258 : i32 to index
      %get3A_272 = arith.constant 48 : index
      %get3A_273 = tpu.vector_load %arg8[%get3A_271, %get3A_272] {strides = array<i32>} : memref<128x128xf32, #tpu.memory_space<vmem>>, vector<1x16xf32>,
      %get3A_274 = vector.shape_cast %get3A_273 : vector<1x16xf32> to vector<16xf32>
      %get3A_275 = arith.index_cast %add3A_258 : i32 to index
      %get3A_276 = arith.constant 64 : index
      %get3A_277 = tpu.vector_load %arg8[%get3A_275, %get3A_276] {strides = array<i32>} : memref<128x128xf32, #tpu.memory_space<vmem>>, vector<1x16xf32>,
      %get3A_278 = vector.shape_cast %get3A_277 : vector<1x16xf32> to vector<16xf32>
      %get3A_279 = arith.index_cast %add3A_258 : i32 to index
      %get3A_280 = arith.constant 80 : index
      %get3A_281 = tpu.vector_load %arg8[%get3A_279, %get3A_280] {strides = array<i32>} : memref<128x128xf32, #tpu.memory_space<vmem>>, vector<1x16xf32>,
      %get3A_282 = vector.shape_cast %get3A_281 : vector<1x16xf32> to vector<16xf32>
      %get3A_283 = arith.index_cast %add3A_258 : i32 to index
      %get3A_284 = arith.constant 96 : index
      %get3A_285 = tpu.vector_load %arg8[%get3A_283, %get3A_284] {strides = array<i32>} : memref<128x128xf32, #tpu.memory_space<vmem>>, vector<1x16xf32>,
      %get3A_286 = vector.shape_cast %get3A_285 : vector<1x16xf32> to vector<16xf32>
      %get3A_287 = arith.index_cast %add3A_258 : i32 to index
      %get3A_288 = arith.constant 112 : index
      %get3A_289 = tpu.vector_load %arg8[%get3A_287, %get3A_288] {strides = array<i32>} : memref<128x128xf32, #tpu.memory_space<vmem>>, vector<1x16xf32>,
      %get3A_290 = vector.shape_cast %get3A_289 : vector<1x16xf32> to vector<16xf32>
      %mul3A_291 = arith.mulf %get3A_262, %get3A_262 : vector<16xf32>
      %add3A_292 = arith.addf %get3A_262, %get3A_266 : vector<16xf32>
      %mul3A_293 = arith.mulf %get3A_266, %get3A_266 : vector<16xf32>
      %add3A_294 = arith.addf %mul3A_291, %mul3A_293 : vector<16xf32>
      %add3A_295 = arith.addf %add3A_292, %get3A_270 : vector<16xf32>
      %mul3A_296 = arith.mulf %get3A_270, %get3A_270 : vector<16xf32>
      %add3A_297 = arith.addf %add3A_294, %mul3A_296 : vector<16xf32>
      %add3A_298 = arith.addf %add3A_295, %get3A_274 : vector<16xf32>
      %mul3A_299 = arith.mulf %get3A_274, %get3A_274 : vector<16xf32>
      %add3A_300 = arith.addf %add3A_297, %mul3A_299 : vector<16xf32>
      %add3A_301 = arith.addf %add3A_298, %get3A_278 : vector<16xf32>
      %mul3A_302 = arith.mulf %get3A_278, %get3A_278 : vector<16xf32>
      %add3A_303 = arith.addf %add3A_300, %mul3A_302 : vector<16xf32>
      %add3A_304 = arith.addf %add3A_301, %get3A_282 : vector<16xf32>
      %mul3A_305 = arith.mulf %get3A_282, %get3A_282 : vector<16xf32>
      %add3A_306 = arith.addf %add3A_303, %mul3A_305 : vector<16xf32>
      %add3A_307 = arith.addf %add3A_304, %get3A_286 : vector<16xf32>
      %mul3A_308 = arith.mulf %get3A_286, %get3A_286 : vector<16xf32>
      %add3A_309 = arith.addf %add3A_306, %mul3A_308 : vector<16xf32>
      %add3A_310 = arith.addf %add3A_307, %get3A_290 : vector<16xf32>
      %mul3A_311 = arith.mulf %get3A_290, %get3A_290 : vector<16xf32>
      %add3A_312 = arith.addf %add3A_309, %mul3A_311 : vector<16xf32>
      %gather3A_313 = vector.shape_cast %broadcast_in_dim3A : vector<16x1xi32> to vector<16xi32>
      %gather3A_314 = tpu.dynamic_gather %add3A_310[%gather3A_313] in [0] : vector<16xf32>, vector<16xi32> -> vector<16xf32>
      %add3A_315 = arith.addf %add3A_310, %gather3A_314 : vector<16xf32>
      %gather3A_316 = vector.shape_cast %broadcast_in_dim3A_56 : vector<16x1xi32> to vector<16xi32>
      %gather3A_317 = tpu.dynamic_gather %add3A_315[%gather3A_316] in [0] : vector<16xf32>, vector<16xi32> -> vector<16xf32>
      %add3A_318 = arith.addf %add3A_315, %gather3A_317 : vector<16xf32>
      %gather3A_319 = vector.shape_cast %broadcast_in_dim3A_61 : vector<16x1xi32> to vector<16xi32>
      %gather3A_320 = tpu.dynamic_gather %add3A_318[%gather3A_319] in [0] : vector<16xf32>, vector<16xi32> -> vector<16xf32>
      %add3A_321 = arith.addf %add3A_318, %gather3A_320 : vector<16xf32>
      %gather3A_322 = vector.shape_cast %broadcast_in_dim3A_66 : vector<16x1xi32> to vector<16xi32>
      %gather3A_323 = tpu.dynamic_gather %add3A_321[%gather3A_322] in [0] : vector<16xf32>, vector<16xi32> -> vector<16xf32>
      %add3A_324 = arith.addf %add3A_321, %gather3A_323 : vector<16xf32>
      %gather3A_325 = vector.shape_cast %broadcast_in_dim3A : vector<16x1xi32> to vector<16xi32>
      %gather3A_326 = tpu.dynamic_gather %add3A_312[%gather3A_325] in [0] : vector<16xf32>, vector<16xi32> -> vector<16xf32>
      %add3A_327 = arith.addf %add3A_312, %gather3A_326 : vector<16xf32>
      %gather3A_328 = vector.shape_cast %broadcast_in_dim3A_56 : vector<16x1xi32> to vector<16xi32>
      %gather3A_329 = tpu.dynamic_gather %add3A_327[%gather3A_328] in [0] : vector<16xf32>, vector<16xi32> -> vector<16xf32>
      %add3A_330 = arith.addf %add3A_327, %gather3A_329 : vector<16xf32>
      %gather3A_331 = vector.shape_cast %broadcast_in_dim3A_61 : vector<16x1xi32> to vector<16xi32>
      %gather3A_332 = tpu.dynamic_gather %add3A_330[%gather3A_331] in [0] : vector<16xf32>, vector<16xi32> -> vector<16xf32>
      %add3A_333 = arith.addf %add3A_330, %gather3A_332 : vector<16xf32>
      %gather3A_334 = vector.shape_cast %broadcast_in_dim3A_66 : vector<16x1xi32> to vector<16xi32>
      %gather3A_335 = tpu.dynamic_gather %add3A_333[%gather3A_334] in [0] : vector<16xf32>, vector<16xi32> -> vector<16xf32>
      %add3A_336 = arith.addf %add3A_333, %gather3A_335 : vector<16xf32>
      %add3A_337 = arith.constant 2 : i32
      %add3A_338 = arith.addi %add3A_177, %add3A_337 : i32
      %get3A_339 = arith.index_cast %add3A_338 : i32 to index
      %get3A_340 = arith.constant 0 : index
      %get3A_341 = tpu.vector_load %arg8[%get3A_339, %get3A_340] {strides = array<i32>} : memref<128x128xf32, #tpu.memory_space<vmem>>, vector<1x16xf32>,
      %get3A_342 = vector.shape_cast %get3A_341 : vector<1x16xf32> to vector<16xf32>
      %get3A_343 = arith.index_cast %add3A_338 : i32 to index
      %get3A_344 = arith.constant 16 : index
      %get3A_345 = tpu.vector_load %arg8[%get3A_343, %get3A_344] {strides = array<i32>} : memref<128x128xf32, #tpu.memory_space<vmem>>, vector<1x16xf32>,
      %get3A_346 = vector.shape_cast %get3A_345 : vector<1x16xf32> to vector<16xf32>
      %get3A_347 = arith.index_cast %add3A_338 : i32 to index
      %get3A_348 = arith.constant 32 : index
      %get3A_349 = tpu.vector_load %arg8[%get3A_347, %get3A_348] {strides = array<i32>} : memref<128x128xf32, #tpu.memory_space<vmem>>, vector<1x16xf32>,
      %get3A_350 = vector.shape_cast %get3A_349 : vector<1x16xf32> to vector<16xf32>
      %get3A_351 = arith.index_cast %add3A_338 : i32 to index
      %get3A_352 = arith.constant 48 : index
      %get3A_353 = tpu.vector_load %arg8[%get3A_351, %get3A_352] {strides = array<i32>} : memref<128x128xf32, #tpu.memory_space<vmem>>, vector<1x16xf32>,
      %get3A_354 = vector.shape_cast %get3A_353 : vector<1x16xf32> to vector<16xf32>
      %get3A_355 = arith.index_cast %add3A_338 : i32 to index
      %get3A_356 = arith.constant 64 : index
      %get3A_357 = tpu.vector_load %arg8[%get3A_355, %get3A_356] {strides = array<i32>} : memref<128x128xf32, #tpu.memory_space<vmem>>, vector<1x16xf32>,
      %get3A_358 = vector.shape_cast %get3A_357 : vector<1x16xf32> to vector<16xf32>
      %get3A_359 = arith.index_cast %add3A_338 : i32 to index
      %get3A_360 = arith.constant 80 : index
      %get3A_361 = tpu.vector_load %arg8[%get3A_359, %get3A_360] {strides = array<i32>} : memref<128x128xf32, #tpu.memory_space<vmem>>, vector<1x16xf32>,
      %get3A_362 = vector.shape_cast %get3A_361 : vector<1x16xf32> to vector<16xf32>
      %get3A_363 = arith.index_cast %add3A_338 : i32 to index
      %get3A_364 = arith.constant 96 : index
      %get3A_365 = tpu.vector_load %arg8[%get3A_363, %get3A_364] {strides = array<i32>} : memref<128x128xf32, #tpu.memory_space<vmem>>, vector<1x16xf32>,
      %get3A_366 = vector.shape_cast %get3A_365 : vector<1x16xf32> to vector<16xf32>
      %get3A_367 = arith.index_cast %add3A_338 : i32 to index
      %get3A_368 = arith.constant 112 : index
      %get3A_369 = tpu.vector_load %arg8[%get3A_367, %get3A_368] {strides = array<i32>} : memref<128x128xf32, #tpu.memory_space<vmem>>, vector<1x16xf32>,
      %get3A_370 = vector.shape_cast %get3A_369 : vector<1x16xf32> to vector<16xf32>
      %mul3A_371 = arith.mulf %get3A_342, %get3A_342 : vector<16xf32>
      %add3A_372 = arith.addf %get3A_342, %get3A_346 : vector<16xf32>
      %mul3A_373 = arith.mulf %get3A_346, %get3A_346 : vector<16xf32>
      %add3A_374 = arith.addf %mul3A_371, %mul3A_373 : vector<16xf32>
      %add3A_375 = arith.addf %add3A_372, %get3A_350 : vector<16xf32>
      %mul3A_376 = arith.mulf %get3A_350, %get3A_350 : vector<16xf32>
      %add3A_377 = arith.addf %add3A_374, %mul3A_376 : vector<16xf32>
      %add3A_378 = arith.addf %add3A_375, %get3A_354 : vector<16xf32>
      %mul3A_379 = arith.mulf %get3A_354, %get3A_354 : vector<16xf32>
      %add3A_380 = arith.addf %add3A_377, %mul3A_379 : vector<16xf32>
      %add3A_381 = arith.addf %add3A_378, %get3A_358 : vector<16xf32>
      %mul3A_382 = arith.mulf %get3A_358, %get3A_358 : vector<16xf32>
      %add3A_383 = arith.addf %add3A_380, %mul3A_382 : vector<16xf32>
      %add3A_384 = arith.addf %add3A_381, %get3A_362 : vector<16xf32>
      %mul3A_385 = arith.mulf %get3A_362, %get3A_362 : vector<16xf32>
      %add3A_386 = arith.addf %add3A_383, %mul3A_385 : vector<16xf32>
      %add3A_387 = arith.addf %add3A_384, %get3A_366 : vector<16xf32>
      %mul3A_388 = arith.mulf %get3A_366, %get3A_366 : vector<16xf32>
      %add3A_389 = arith.addf %add3A_386, %mul3A_388 : vector<16xf32>
      %add3A_390 = arith.addf %add3A_387, %get3A_370 : vector<16xf32>
      %mul3A_391 = arith.mulf %get3A_370, %get3A_370 : vector<16xf32>
      %add3A_392 = arith.addf %add3A_389, %mul3A_391 : vector<16xf32>
      %gather3A_393 = vector.shape_cast %broadcast_in_dim3A : vector<16x1xi32> to vector<16xi32>
      %gather3A_394 = tpu.dynamic_gather %add3A_390[%gather3A_393] in [0] : vector<16xf32>, vector<16xi32> -> vector<16xf32>
      %add3A_395 = arith.addf %add3A_390, %gather3A_394 : vector<16xf32>
      %gather3A_396 = vector.shape_cast %broadcast_in_dim3A_56 : vector<16x1xi32> to vector<16xi32>
      %gather3A_397 = tpu.dynamic_gather %add3A_395[%gather3A_396] in [0] : vector<16xf32>, vector<16xi32> -> vector<16xf32>
      %add3A_398 = arith.addf %add3A_395, %gather3A_397 : vector<16xf32>
      %gather3A_399 = vector.shape_cast %broadcast_in_dim3A_61 : vector<16x1xi32> to vector<16xi32>
      %gather3A_400 = tpu.dynamic_gather %add3A_398[%gather3A_399] in [0] : vector<16xf32>, vector<16xi32> -> vector<16xf32>
      %add3A_401 = arith.addf %add3A_398, %gather3A_400 : vector<16xf32>
      %gather3A_402 = vector.shape_cast %broadcast_in_dim3A_66 : vector<16x1xi32> to vector<16xi32>
      %gather3A_403 = tpu.dynamic_gather %add3A_401[%gather3A_402] in [0] : vector<16xf32>, vector<16xi32> -> vector<16xf32>
      %add3A_404 = arith.addf %add3A_401, %gather3A_403 : vector<16xf32>
      %gather3A_405 = vector.shape_cast %broadcast_in_dim3A : vector<16x1xi32> to vector<16xi32>
      %gather3A_406 = tpu.dynamic_gather %add3A_392[%gather3A_405] in [0] : vector<16xf32>, vector<16xi32> -> vector<16xf32>
      %add3A_407 = arith.addf %add3A_392, %gather3A_406 : vector<16xf32>
      %gather3A_408 = vector.shape_cast %broadcast_in_dim3A_56 : vector<16x1xi32> to vector<16xi32>
      %gather3A_409 = tpu.dynamic_gather %add3A_407[%gather3A_408] in [0] : vector<16xf32>, vector<16xi32> -> vector<16xf32>
      %add3A_410 = arith.addf %add3A_407, %gather3A_409 : vector<16xf32>
      %gather3A_411 = vector.shape_cast %broadcast_in_dim3A_61 : vector<16x1xi32> to vector<16xi32>
      %gather3A_412 = tpu.dynamic_gather %add3A_410[%gather3A_411] in [0] : vector<16xf32>, vector<16xi32> -> vector<16xf32>
      %add3A_413 = arith.addf %add3A_410, %gather3A_412 : vector<16xf32>
      %gather3A_414 = vector.shape_cast %broadcast_in_dim3A_66 : vector<16x1xi32> to vector<16xi32>
      %gather3A_415 = tpu.dynamic_gather %add3A_413[%gather3A_414] in [0] : vector<16xf32>, vector<16xi32> -> vector<16xf32>
      %add3A_416 = arith.addf %add3A_413, %gather3A_415 : vector<16xf32>
      %add3A_417 = arith.constant 3 : i32
      %add3A_418 = arith.addi %add3A_177, %add3A_417 : i32
      %get3A_419 = arith.index_cast %add3A_418 : i32 to index
      %get3A_420 = arith.constant 0 : index
      %get3A_421 = tpu.vector_load %arg8[%get3A_419, %get3A_420] {strides = array<i32>} : memref<128x128xf32, #tpu.memory_space<vmem>>, vector<1x16xf32>,
      %get3A_422 = vector.shape_cast %get3A_421 : vector<1x16xf32> to vector<16xf32>
      %get3A_423 = arith.index_cast %add3A_418 : i32 to index
      %get3A_424 = arith.constant 16 : index
      %get3A_425 = tpu.vector_load %arg8[%get3A_423, %get3A_424] {strides = array<i32>} : memref<128x128xf32, #tpu.memory_space<vmem>>, vector<1x16xf32>,
      %get3A_426 = vector.shape_cast %get3A_425 : vector<1x16xf32> to vector<16xf32>
      %get3A_427 = arith.index_cast %add3A_418 : i32 to index
      %get3A_428 = arith.constant 32 : index
      %get3A_429 = tpu.vector_load %arg8[%get3A_427, %get3A_428] {strides = array<i32>} : memref<128x128xf32, #tpu.memory_space<vmem>>, vector<1x16xf32>,
      %get3A_430 = vector.shape_cast %get3A_429 : vector<1x16xf32> to vector<16xf32>
      %get3A_431 = arith.index_cast %add3A_418 : i32 to index
      %get3A_432 = arith.constant 48 : index
      %get3A_433 = tpu.vector_load %arg8[%get3A_431, %get3A_432] {strides = array<i32>} : memref<128x128xf32, #tpu.memory_space<vmem>>, vector<1x16xf32>,
      %get3A_434 = vector.shape_cast %get3A_433 : vector<1x16xf32> to vector<16xf32>
      %get3A_435 = arith.index_cast %add3A_418 : i32 to index
      %get3A_436 = arith.constant 64 : index
      %get3A_437 = tpu.vector_load %arg8[%get3A_435, %get3A_436] {strides = array<i32>} : memref<128x128xf32, #tpu.memory_space<vmem>>, vector<1x16xf32>,
      %get3A_438 = vector.shape_cast %get3A_437 : vector<1x16xf32> to vector<16xf32>
      %get3A_439 = arith.index_cast %add3A_418 : i32 to index
      %get3A_440 = arith.constant 80 : index
      %get3A_441 = tpu.vector_load %arg8[%get3A_439, %get3A_440] {strides = array<i32>} : memref<128x128xf32, #tpu.memory_space<vmem>>, vector<1x16xf32>,
      %get3A_442 = vector.shape_cast %get3A_441 : vector<1x16xf32> to vector<16xf32>
      %get3A_443 = arith.index_cast %add3A_418 : i32 to index
      %get3A_444 = arith.constant 96 : index
      %get3A_445 = tpu.vector_load %arg8[%get3A_443, %get3A_444] {strides = array<i32>} : memref<128x128xf32, #tpu.memory_space<vmem>>, vector<1x16xf32>,
      %get3A_446 = vector.shape_cast %get3A_445 : vector<1x16xf32> to vector<16xf32>
      %get3A_447 = arith.index_cast %add3A_418 : i32 to index
      %get3A_448 = arith.constant 112 : index
      %get3A_449 = tpu.vector_load %arg8[%get3A_447, %get3A_448] {strides = array<i32>} : memref<128x128xf32, #tpu.memory_space<vmem>>, vector<1x16xf32>,
      %get3A_450 = vector.shape_cast %get3A_449 : vector<1x16xf32> to vector<16xf32>
      %mul3A_451 = arith.mulf %get3A_422, %get3A_422 : vector<16xf32>
      %add3A_452 = arith.addf %get3A_422, %get3A_426 : vector<16xf32>
      %mul3A_453 = arith.mulf %get3A_426, %get3A_426 : vector<16xf32>
      %add3A_454 = arith.addf %mul3A_451, %mul3A_453 : vector<16xf32>
      %add3A_455 = arith.addf %add3A_452, %get3A_430 : vector<16xf32>
      %mul3A_456 = arith.mulf %get3A_430, %get3A_430 : vector<16xf32>
      %add3A_457 = arith.addf %add3A_454, %mul3A_456 : vector<16xf32>
      %add3A_458 = arith.addf %add3A_455, %get3A_434 : vector<16xf32>
      %mul3A_459 = arith.mulf %get3A_434, %get3A_434 : vector<16xf32>
      %add3A_460 = arith.addf %add3A_457, %mul3A_459 : vector<16xf32>
      %add3A_461 = arith.addf %add3A_458, %get3A_438 : vector<16xf32>
      %mul3A_462 = arith.mulf %get3A_438, %get3A_438 : vector<16xf32>
      %add3A_463 = arith.addf %add3A_460, %mul3A_462 : vector<16xf32>
      %add3A_464 = arith.addf %add3A_461, %get3A_442 : vector<16xf32>
      %mul3A_465 = arith.mulf %get3A_442, %get3A_442 : vector<16xf32>
      %add3A_466 = arith.addf %add3A_463, %mul3A_465 : vector<16xf32>
      %add3A_467 = arith.addf %add3A_464, %get3A_446 : vector<16xf32>
      %mul3A_468 = arith.mulf %get3A_446, %get3A_446 : vector<16xf32>
      %add3A_469 = arith.addf %add3A_466, %mul3A_468 : vector<16xf32>
      %add3A_470 = arith.addf %add3A_467, %get3A_450 : vector<16xf32>
      %mul3A_471 = arith.mulf %get3A_450, %get3A_450 : vector<16xf32>
      %add3A_472 = arith.addf %add3A_469, %mul3A_471 : vector<16xf32>
      %gather3A_473 = vector.shape_cast %broadcast_in_dim3A : vector<16x1xi32> to vector<16xi32>
      %gather3A_474 = tpu.dynamic_gather %add3A_470[%gather3A_473] in [0] : vector<16xf32>, vector<16xi32> -> vector<16xf32>
      %add3A_475 = arith.addf %add3A_470, %gather3A_474 : vector<16xf32>
      %gather3A_476 = vector.shape_cast %broadcast_in_dim3A_56 : vector<16x1xi32> to vector<16xi32>
      %gather3A_477 = tpu.dynamic_gather %add3A_475[%gather3A_476] in [0] : vector<16xf32>, vector<16xi32> -> vector<16xf32>
      %add3A_478 = arith.addf %add3A_475, %gather3A_477 : vector<16xf32>
      %gather3A_479 = vector.shape_cast %broadcast_in_dim3A_61 : vector<16x1xi32> to vector<16xi32>
      %gather3A_480 = tpu.dynamic_gather %add3A_478[%gather3A_479] in [0] : vector<16xf32>, vector<16xi32> -> vector<16xf32>
      %add3A_481 = arith.addf %add3A_478, %gather3A_480 : vector<16xf32>
      %gather3A_482 = vector.shape_cast %broadcast_in_dim3A_66 : vector<16x1xi32> to vector<16xi32>
      %gather3A_483 = tpu.dynamic_gather %add3A_481[%gather3A_482] in [0] : vector<16xf32>, vector<16xi32> -> vector<16xf32>
      %add3A_484 = arith.addf %add3A_481, %gather3A_483 : vector<16xf32>
      %gather3A_485 = vector.shape_cast %broadcast_in_dim3A : vector<16x1xi32> to vector<16xi32>
      %gather3A_486 = tpu.dynamic_gather %add3A_472[%gather3A_485] in [0] : vector<16xf32>, vector<16xi32> -> vector<16xf32>
      %add3A_487 = arith.addf %add3A_472, %gather3A_486 : vector<16xf32>
      %gather3A_488 = vector.shape_cast %broadcast_in_dim3A_56 : vector<16x1xi32> to vector<16xi32>
      %gather3A_489 = tpu.dynamic_gather %add3A_487[%gather3A_488] in [0] : vector<16xf32>, vector<16xi32> -> vector<16xf32>
      %add3A_490 = arith.addf %add3A_487, %gather3A_489 : vector<16xf32>
      %gather3A_491 = vector.shape_cast %broadcast_in_dim3A_61 : vector<16x1xi32> to vector<16xi32>
      %gather3A_492 = tpu.dynamic_gather %add3A_490[%gather3A_491] in [0] : vector<16xf32>, vector<16xi32> -> vector<16xf32>
      %add3A_493 = arith.addf %add3A_490, %gather3A_492 : vector<16xf32>
      %gather3A_494 = vector.shape_cast %broadcast_in_dim3A_66 : vector<16x1xi32> to vector<16xi32>
      %gather3A_495 = tpu.dynamic_gather %add3A_493[%gather3A_494] in [0] : vector<16xf32>, vector<16xi32> -> vector<16xf32>
      %add3A_496 = arith.addf %add3A_493, %gather3A_495 : vector<16xf32>
      %select_n3A = arith.select %eq3A_73, %add3A_324, %add3A_244 : vector<16xi1>, vector<16xf32>
      %select_n3A_497 = arith.select %eq3A_73, %add3A_336, %add3A_256 : vector<16xi1>, vector<16xf32>
      %select_n3A_498 = arith.select %eq3A_77, %add3A_404, %select_n3A : vector<16xi1>, vector<16xf32>
      %select_n3A_499 = arith.select %eq3A_77, %add3A_416, %select_n3A_497 : vector<16xi1>, vector<16xf32>
      %select_n3A_500 = arith.select %eq3A_81, %add3A_484, %select_n3A_498 : vector<16xi1>, vector<16xf32>
      %select_n3A_501 = arith.select %eq3A_81, %add3A_496, %select_n3A_499 : vector<16xi1>, vector<16xf32>
      %mul3A_502 = vector.broadcast %scan3A_131 : f32 to vector<16xf32>
      %mul3A_503 = arith.mulf %select_n3A_500, %mul3A_502 : vector<16xf32>
      %mul3A_504 = vector.broadcast %scan3A_131 : f32 to vector<16xf32>
      %mul3A_505 = arith.mulf %select_n3A_501, %mul3A_504 : vector<16xf32>
      %mul3A_506 = arith.mulf %mul3A_503, %mul3A_503 : vector<16xf32>
      %sub3A = arith.subf %mul3A_505, %mul3A_506 : vector<16xf32>
      %add3A_507 = arith.constant 9.99999974E-6 : f32
      %add3A_508 = vector.broadcast %add3A_507 : f32 to vector<16xf32>
      %add3A_509 = arith.addf %sub3A, %add3A_508 : vector<16xf32>
      %bitcast_convert_type3A = tpu.bitcast %add3A_509 : vector<16xf32> -> vector<16xi32>
      %shift_right_arithmetic3A = arith.constant 1 : i32
      %shift_right_arithmetic3A_510 = vector.broadcast %shift_right_arithmetic3A : i32 to vector<16xi32>
      %shift_right_arithmetic3A_511 = arith.shrsi %bitcast_convert_type3A, %shift_right_arithmetic3A_510 : vector<16xi32>
      %sub3A_512 = arith.constant 1597463007 : i32
      %sub3A_513 = vector.broadcast %sub3A_512 : i32 to vector<16xi32>
      %sub3A_514 = arith.subi %sub3A_513, %shift_right_arithmetic3A_511 : vector<16xi32>
      %bitcast_convert_type3A_515 = tpu.bitcast %sub3A_514 : vector<16xi32> -> vector<16xf32>
      %mul3A_516 = arith.constant 5.000000e-01 : f32
      %mul3A_517 = vector.broadcast %mul3A_516 : f32 to vector<16xf32>
      %mul3A_518 = arith.mulf %mul3A_517, %add3A_509 : vector<16xf32>
      %mul3A_519 = arith.mulf %mul3A_518, %bitcast_convert_type3A_515 : vector<16xf32>
      %mul3A_520 = arith.mulf %mul3A_519, %bitcast_convert_type3A_515 : vector<16xf32>
      %sub3A_521 = arith.constant 1.500000e+00 : f32
      %sub3A_522 = vector.broadcast %sub3A_521 : f32 to vector<16xf32>
      %sub3A_523 = arith.subf %sub3A_522, %mul3A_520 : vector<16xf32>
      %mul3A_524 = arith.mulf %bitcast_convert_type3A_515, %sub3A_523 : vector<16xf32>
      %mul3A_525 = arith.mulf %mul3A_518, %mul3A_524 : vector<16xf32>
      %mul3A_526 = arith.mulf %mul3A_525, %mul3A_524 : vector<16xf32>
      %sub3A_527 = arith.constant 1.500000e+00 : f32
      %sub3A_528 = vector.broadcast %sub3A_527 : f32 to vector<16xf32>
      %sub3A_529 = arith.subf %sub3A_528, %mul3A_526 : vector<16xf32>
      %mul3A_530 = arith.mulf %mul3A_524, %sub3A_529 : vector<16xf32>
      %broadcast_in_dim3A_531 = arith.constant 0 : i32
      %broadcast_in_dim3A_532 = vector.broadcast %broadcast_in_dim3A_531 : i32 to vector<16x1xi32>
      %gather3A_533 = vector.shape_cast %broadcast_in_dim3A_532 : vector<16x1xi32> to vector<16xi32>
      %gather3A_534 = tpu.dynamic_gather %mul3A_503[%gather3A_533] in [0] : vector<16xf32>, vector<16xi32> -> vector<16xf32>
      %broadcast_in_dim3A_535 = arith.constant 0 : i32
      %broadcast_in_dim3A_536 = vector.broadcast %broadcast_in_dim3A_535 : i32 to vector<16x1xi32>
      %gather3A_537 = vector.shape_cast %broadcast_in_dim3A_536 : vector<16x1xi32> to vector<16xi32>
      %gather3A_538 = tpu.dynamic_gather %mul3A_530[%gather3A_537] in [0] : vector<16xf32>, vector<16xi32> -> vector<16xf32>
      %sub3A_539 = arith.subf %get3A_183, %gather3A_534 : vector<16xf32>
      %mul3A_540 = arith.mulf %sub3A_539, %gather3A_538 : vector<16xf32>
      %mul3A_541 = arith.mulf %mul3A_540, %get3A_4 : vector<16xf32>
      %add3A_542 = arith.addf %mul3A_541, %get3A_28 : vector<16xf32>
      %add3A_543 = arith.constant 0 : i32
      %add3A_544 = arith.addi %add3A_177, %add3A_543 : i32
      %swap3A = arith.index_cast %add3A_544 : i32 to index
      %swap3A_545 = arith.constant 0 : index
      %swap3A_546 = tpu.vector_load %arg8[%swap3A, %swap3A_545] {strides = array<i32>} : memref<128x128xf32, #tpu.memory_space<vmem>>, vector<1x16xf32>,
      %swap3A_547 = vector.shape_cast %swap3A_546 : vector<1x16xf32> to vector<16xf32>
      %swap3A_548 = vector.shape_cast %add3A_542 : vector<16xf32> to vector<1x16xf32>
      tpu.vector_store %arg8[%swap3A, %swap3A_545], %swap3A_548 {strides = array<i32>} : memref<128x128xf32, #tpu.memory_space<vmem>>, vector<1x16xf32>,
      %sub3A_549 = arith.subf %get3A_187, %gather3A_534 : vector<16xf32>
      %mul3A_550 = arith.mulf %sub3A_549, %gather3A_538 : vector<16xf32>
      %mul3A_551 = arith.mulf %mul3A_550, %get3A_7 : vector<16xf32>
      %add3A_552 = arith.addf %mul3A_551, %get3A_31 : vector<16xf32>
      %add3A_553 = arith.constant 0 : i32
      %add3A_554 = arith.addi %add3A_177, %add3A_553 : i32
      %swap3A_555 = arith.index_cast %add3A_554 : i32 to index
      %swap3A_556 = arith.constant 16 : index
      %swap3A_557 = tpu.vector_load %arg8[%swap3A_555, %swap3A_556] {strides = array<i32>} : memref<128x128xf32, #tpu.memory_space<vmem>>, vector<1x16xf32>,
      %swap3A_558 = vector.shape_cast %swap3A_557 : vector<1x16xf32> to vector<16xf32>
      %swap3A_559 = vector.shape_cast %add3A_552 : vector<16xf32> to vector<1x16xf32>
      tpu.vector_store %arg8[%swap3A_555, %swap3A_556], %swap3A_559 {strides = array<i32>} : memref<128x128xf32, #tpu.memory_space<vmem>>, vector<1x16xf32>,
      %sub3A_560 = arith.subf %get3A_191, %gather3A_534 : vector<16xf32>
      %mul3A_561 = arith.mulf %sub3A_560, %gather3A_538 : vector<16xf32>
      %mul3A_562 = arith.mulf %mul3A_561, %get3A_10 : vector<16xf32>
      %add3A_563 = arith.addf %mul3A_562, %get3A_34 : vector<16xf32>
      %add3A_564 = arith.constant 0 : i32
      %add3A_565 = arith.addi %add3A_177, %add3A_564 : i32
      %swap3A_566 = arith.index_cast %add3A_565 : i32 to index
      %swap3A_567 = arith.constant 32 : index
      %swap3A_568 = tpu.vector_load %arg8[%swap3A_566, %swap3A_567] {strides = array<i32>} : memref<128x128xf32, #tpu.memory_space<vmem>>, vector<1x16xf32>,
      %swap3A_569 = vector.shape_cast %swap3A_568 : vector<1x16xf32> to vector<16xf32>
      %swap3A_570 = vector.shape_cast %add3A_563 : vector<16xf32> to vector<1x16xf32>
      tpu.vector_store %arg8[%swap3A_566, %swap3A_567], %swap3A_570 {strides = array<i32>} : memref<128x128xf32, #tpu.memory_space<vmem>>, vector<1x16xf32>,
      %sub3A_571 = arith.subf %get3A_195, %gather3A_534 : vector<16xf32>
      %mul3A_572 = arith.mulf %sub3A_571, %gather3A_538 : vector<16xf32>
      %mul3A_573 = arith.mulf %mul3A_572, %get3A_13 : vector<16xf32>
      %add3A_574 = arith.addf %mul3A_573, %get3A_37 : vector<16xf32>
      %add3A_575 = arith.constant 0 : i32
      %add3A_576 = arith.addi %add3A_177, %add3A_575 : i32
      %swap3A_577 = arith.index_cast %add3A_576 : i32 to index
      %swap3A_578 = arith.constant 48 : index
      %swap3A_579 = tpu.vector_load %arg8[%swap3A_577, %swap3A_578] {strides = array<i32>} : memref<128x128xf32, #tpu.memory_space<vmem>>, vector<1x16xf32>,
      %swap3A_580 = vector.shape_cast %swap3A_579 : vector<1x16xf32> to vector<16xf32>
      %swap3A_581 = vector.shape_cast %add3A_574 : vector<16xf32> to vector<1x16xf32>
      tpu.vector_store %arg8[%swap3A_577, %swap3A_578], %swap3A_581 {strides = array<i32>} : memref<128x128xf32, #tpu.memory_space<vmem>>, vector<1x16xf32>,
      %sub3A_582 = arith.subf %get3A_199, %gather3A_534 : vector<16xf32>
      %mul3A_583 = arith.mulf %sub3A_582, %gather3A_538 : vector<16xf32>
      %mul3A_584 = arith.mulf %mul3A_583, %get3A_16 : vector<16xf32>
      %add3A_585 = arith.addf %mul3A_584, %get3A_40 : vector<16xf32>
      %add3A_586 = arith.constant 0 : i32
      %add3A_587 = arith.addi %add3A_177, %add3A_586 : i32
      %swap3A_588 = arith.index_cast %add3A_587 : i32 to index
      %swap3A_589 = arith.constant 64 : index
      %swap3A_590 = tpu.vector_load %arg8[%swap3A_588, %swap3A_589] {strides = array<i32>} : memref<128x128xf32, #tpu.memory_space<vmem>>, vector<1x16xf32>,
      %swap3A_591 = vector.shape_cast %swap3A_590 : vector<1x16xf32> to vector<16xf32>
      %swap3A_592 = vector.shape_cast %add3A_585 : vector<16xf32> to vector<1x16xf32>
      tpu.vector_store %arg8[%swap3A_588, %swap3A_589], %swap3A_592 {strides = array<i32>} : memref<128x128xf32, #tpu.memory_space<vmem>>, vector<1x16xf32>,
      %sub3A_593 = arith.subf %get3A_203, %gather3A_534 : vector<16xf32>
      %mul3A_594 = arith.mulf %sub3A_593, %gather3A_538 : vector<16xf32>
      %mul3A_595 = arith.mulf %mul3A_594, %get3A_19 : vector<16xf32>
      %add3A_596 = arith.addf %mul3A_595, %get3A_43 : vector<16xf32>
      %add3A_597 = arith.constant 0 : i32
      %add3A_598 = arith.addi %add3A_177, %add3A_597 : i32
      %swap3A_599 = arith.index_cast %add3A_598 : i32 to index
      %swap3A_600 = arith.constant 80 : index
      %swap3A_601 = tpu.vector_load %arg8[%swap3A_599, %swap3A_600] {strides = array<i32>} : memref<128x128xf32, #tpu.memory_space<vmem>>, vector<1x16xf32>,
      %swap3A_602 = vector.shape_cast %swap3A_601 : vector<1x16xf32> to vector<16xf32>
      %swap3A_603 = vector.shape_cast %add3A_596 : vector<16xf32> to vector<1x16xf32>
      tpu.vector_store %arg8[%swap3A_599, %swap3A_600], %swap3A_603 {strides = array<i32>} : memref<128x128xf32, #tpu.memory_space<vmem>>, vector<1x16xf32>,
      %sub3A_604 = arith.subf %get3A_207, %gather3A_534 : vector<16xf32>
      %mul3A_605 = arith.mulf %sub3A_604, %gather3A_538 : vector<16xf32>
      %mul3A_606 = arith.mulf %mul3A_605, %get3A_22 : vector<16xf32>
      %add3A_607 = arith.addf %mul3A_606, %get3A_46 : vector<16xf32>
      %add3A_608 = arith.constant 0 : i32
      %add3A_609 = arith.addi %add3A_177, %add3A_608 : i32
      %swap3A_610 = arith.index_cast %add3A_609 : i32 to index
      %swap3A_611 = arith.constant 96 : index
      %swap3A_612 = tpu.vector_load %arg8[%swap3A_610, %swap3A_611] {strides = array<i32>} : memref<128x128xf32, #tpu.memory_space<vmem>>, vector<1x16xf32>,
      %swap3A_613 = vector.shape_cast %swap3A_612 : vector<1x16xf32> to vector<16xf32>
      %swap3A_614 = vector.shape_cast %add3A_607 : vector<16xf32> to vector<1x16xf32>
      tpu.vector_store %arg8[%swap3A_610, %swap3A_611], %swap3A_614 {strides = array<i32>} : memref<128x128xf32, #tpu.memory_space<vmem>>, vector<1x16xf32>,
      %sub3A_615 = arith.subf %get3A_211, %gather3A_534 : vector<16xf32>
      %mul3A_616 = arith.mulf %sub3A_615, %gather3A_538 : vector<16xf32>
      %mul3A_617 = arith.mulf %mul3A_616, %get3A_25 : vector<16xf32>
      %add3A_618 = arith.addf %mul3A_617, %get3A_49 : vector<16xf32>
      %add3A_619 = arith.constant 0 : i32
      %add3A_620 = arith.addi %add3A_177, %add3A_619 : i32
      %swap3A_621 = arith.index_cast %add3A_620 : i32 to index
      %swap3A_622 = arith.constant 112 : index
      %swap3A_623 = tpu.vector_load %arg8[%swap3A_621, %swap3A_622] {strides = array<i32>} : memref<128x128xf32, #tpu.memory_space<vmem>>, vector<1x16xf32>,
      %swap3A_624 = vector.shape_cast %swap3A_623 : vector<1x16xf32> to vector<16xf32>
      %swap3A_625 = vector.shape_cast %add3A_618 : vector<16xf32> to vector<1x16xf32>
      tpu.vector_store %arg8[%swap3A_621, %swap3A_622], %swap3A_625 {strides = array<i32>} : memref<128x128xf32, #tpu.memory_space<vmem>>, vector<1x16xf32>,
      %broadcast_in_dim3A_626 = arith.constant 1 : i32
      %broadcast_in_dim3A_627 = vector.broadcast %broadcast_in_dim3A_626 : i32 to vector<16x1xi32>
      %gather3A_628 = vector.shape_cast %broadcast_in_dim3A_627 : vector<16x1xi32> to vector<16xi32>
      %gather3A_629 = tpu.dynamic_gather %mul3A_503[%gather3A_628] in [0] : vector<16xf32>, vector<16xi32> -> vector<16xf32>
      %broadcast_in_dim3A_630 = arith.constant 1 : i32
      %broadcast_in_dim3A_631 = vector.broadcast %broadcast_in_dim3A_630 : i32 to vector<16x1xi32>
      %gather3A_632 = vector.shape_cast %broadcast_in_dim3A_631 : vector<16x1xi32> to vector<16xi32>
      %gather3A_633 = tpu.dynamic_gather %mul3A_530[%gather3A_632] in [0] : vector<16xf32>, vector<16xi32> -> vector<16xf32>
      %sub3A_634 = arith.subf %get3A_262, %gather3A_629 : vector<16xf32>
      %mul3A_635 = arith.mulf %sub3A_634, %gather3A_633 : vector<16xf32>
      %mul3A_636 = arith.mulf %mul3A_635, %get3A_4 : vector<16xf32>
      %add3A_637 = arith.addf %mul3A_636, %get3A_28 : vector<16xf32>
      %add3A_638 = arith.constant 1 : i32
      %add3A_639 = arith.addi %add3A_177, %add3A_638 : i32
      %swap3A_640 = arith.index_cast %add3A_639 : i32 to index
      %swap3A_641 = arith.constant 0 : index
      %swap3A_642 = tpu.vector_load %arg8[%swap3A_640, %swap3A_641] {strides = array<i32>} : memref<128x128xf32, #tpu.memory_space<vmem>>, vector<1x16xf32>,
      %swap3A_643 = vector.shape_cast %swap3A_642 : vector<1x16xf32> to vector<16xf32>
      %swap3A_644 = vector.shape_cast %add3A_637 : vector<16xf32> to vector<1x16xf32>
      tpu.vector_store %arg8[%swap3A_640, %swap3A_641], %swap3A_644 {strides = array<i32>} : memref<128x128xf32, #tpu.memory_space<vmem>>, vector<1x16xf32>,
      %sub3A_645 = arith.subf %get3A_266, %gather3A_629 : vector<16xf32>
      %mul3A_646 = arith.mulf %sub3A_645, %gather3A_633 : vector<16xf32>
      %mul3A_647 = arith.mulf %mul3A_646, %get3A_7 : vector<16xf32>
      %add3A_648 = arith.addf %mul3A_647, %get3A_31 : vector<16xf32>
      %add3A_649 = arith.constant 1 : i32
      %add3A_650 = arith.addi %add3A_177, %add3A_649 : i32
      %swap3A_651 = arith.index_cast %add3A_650 : i32 to index
      %swap3A_652 = arith.constant 16 : index
      %swap3A_653 = tpu.vector_load %arg8[%swap3A_651, %swap3A_652] {strides = array<i32>} : memref<128x128xf32, #tpu.memory_space<vmem>>, vector<1x16xf32>,
      %swap3A_654 = vector.shape_cast %swap3A_653 : vector<1x16xf32> to vector<16xf32>
      %swap3A_655 = vector.shape_cast %add3A_648 : vector<16xf32> to vector<1x16xf32>
      tpu.vector_store %arg8[%swap3A_651, %swap3A_652], %swap3A_655 {strides = array<i32>} : memref<128x128xf32, #tpu.memory_space<vmem>>, vector<1x16xf32>,
      %sub3A_656 = arith.subf %get3A_270, %gather3A_629 : vector<16xf32>
      %mul3A_657 = arith.mulf %sub3A_656, %gather3A_633 : vector<16xf32>
      %mul3A_658 = arith.mulf %mul3A_657, %get3A_10 : vector<16xf32>
      %add3A_659 = arith.addf %mul3A_658, %get3A_34 : vector<16xf32>
      %add3A_660 = arith.constant 1 : i32
      %add3A_661 = arith.addi %add3A_177, %add3A_660 : i32
      %swap3A_662 = arith.index_cast %add3A_661 : i32 to index
      %swap3A_663 = arith.constant 32 : index
      %swap3A_664 = tpu.vector_load %arg8[%swap3A_662, %swap3A_663] {strides = array<i32>} : memref<128x128xf32, #tpu.memory_space<vmem>>, vector<1x16xf32>,
      %swap3A_665 = vector.shape_cast %swap3A_664 : vector<1x16xf32> to vector<16xf32>
      %swap3A_666 = vector.shape_cast %add3A_659 : vector<16xf32> to vector<1x16xf32>
      tpu.vector_store %arg8[%swap3A_662, %swap3A_663], %swap3A_666 {strides = array<i32>} : memref<128x128xf32, #tpu.memory_space<vmem>>, vector<1x16xf32>,
      %sub3A_667 = arith.subf %get3A_274, %gather3A_629 : vector<16xf32>
      %mul3A_668 = arith.mulf %sub3A_667, %gather3A_633 : vector<16xf32>
      %mul3A_669 = arith.mulf %mul3A_668, %get3A_13 : vector<16xf32>
      %add3A_670 = arith.addf %mul3A_669, %get3A_37 : vector<16xf32>
      %add3A_671 = arith.constant 1 : i32
      %add3A_672 = arith.addi %add3A_177, %add3A_671 : i32
      %swap3A_673 = arith.index_cast %add3A_672 : i32 to index
      %swap3A_674 = arith.constant 48 : index
      %swap3A_675 = tpu.vector_load %arg8[%swap3A_673, %swap3A_674] {strides = array<i32>} : memref<128x128xf32, #tpu.memory_space<vmem>>, vector<1x16xf32>,
      %swap3A_676 = vector.shape_cast %swap3A_675 : vector<1x16xf32> to vector<16xf32>
      %swap3A_677 = vector.shape_cast %add3A_670 : vector<16xf32> to vector<1x16xf32>
      tpu.vector_store %arg8[%swap3A_673, %swap3A_674], %swap3A_677 {strides = array<i32>} : memref<128x128xf32, #tpu.memory_space<vmem>>, vector<1x16xf32>,
      %sub3A_678 = arith.subf %get3A_278, %gather3A_629 : vector<16xf32>
      %mul3A_679 = arith.mulf %sub3A_678, %gather3A_633 : vector<16xf32>
      %mul3A_680 = arith.mulf %mul3A_679, %get3A_16 : vector<16xf32>
      %add3A_681 = arith.addf %mul3A_680, %get3A_40 : vector<16xf32>
      %add3A_682 = arith.constant 1 : i32
      %add3A_683 = arith.addi %add3A_177, %add3A_682 : i32
      %swap3A_684 = arith.index_cast %add3A_683 : i32 to index
      %swap3A_685 = arith.constant 64 : index
      %swap3A_686 = tpu.vector_load %arg8[%swap3A_684, %swap3A_685] {strides = array<i32>} : memref<128x128xf32, #tpu.memory_space<vmem>>, vector<1x16xf32>,
      %swap3A_687 = vector.shape_cast %swap3A_686 : vector<1x16xf32> to vector<16xf32>
      %swap3A_688 = vector.shape_cast %add3A_681 : vector<16xf32> to vector<1x16xf32>
      tpu.vector_store %arg8[%swap3A_684, %swap3A_685], %swap3A_688 {strides = array<i32>} : memref<128x128xf32, #tpu.memory_space<vmem>>, vector<1x16xf32>,
      %sub3A_689 = arith.subf %get3A_282, %gather3A_629 : vector<16xf32>
      %mul3A_690 = arith.mulf %sub3A_689, %gather3A_633 : vector<16xf32>
      %mul3A_691 = arith.mulf %mul3A_690, %get3A_19 : vector<16xf32>
      %add3A_692 = arith.addf %mul3A_691, %get3A_43 : vector<16xf32>
      %add3A_693 = arith.constant 1 : i32
      %add3A_694 = arith.addi %add3A_177, %add3A_693 : i32
      %swap3A_695 = arith.index_cast %add3A_694 : i32 to index
      %swap3A_696 = arith.constant 80 : index
      %swap3A_697 = tpu.vector_load %arg8[%swap3A_695, %swap3A_696] {strides = array<i32>} : memref<128x128xf32, #tpu.memory_space<vmem>>, vector<1x16xf32>,
      %swap3A_698 = vector.shape_cast %swap3A_697 : vector<1x16xf32> to vector<16xf32>
      %swap3A_699 = vector.shape_cast %add3A_692 : vector<16xf32> to vector<1x16xf32>
      tpu.vector_store %arg8[%swap3A_695, %swap3A_696], %swap3A_699 {strides = array<i32>} : memref<128x128xf32, #tpu.memory_space<vmem>>, vector<1x16xf32>,
      %sub3A_700 = arith.subf %get3A_286, %gather3A_629 : vector<16xf32>
      %mul3A_701 = arith.mulf %sub3A_700, %gather3A_633 : vector<16xf32>
      %mul3A_702 = arith.mulf %mul3A_701, %get3A_22 : vector<16xf32>
      %add3A_703 = arith.addf %mul3A_702, %get3A_46 : vector<16xf32>
      %add3A_704 = arith.constant 1 : i32
      %add3A_705 = arith.addi %add3A_177, %add3A_704 : i32
      %swap3A_706 = arith.index_cast %add3A_705 : i32 to index
      %swap3A_707 = arith.constant 96 : index
      %swap3A_708 = tpu.vector_load %arg8[%swap3A_706, %swap3A_707] {strides = array<i32>} : memref<128x128xf32, #tpu.memory_space<vmem>>, vector<1x16xf32>,
      %swap3A_709 = vector.shape_cast %swap3A_708 : vector<1x16xf32> to vector<16xf32>
      %swap3A_710 = vector.shape_cast %add3A_703 : vector<16xf32> to vector<1x16xf32>
      tpu.vector_store %arg8[%swap3A_706, %swap3A_707], %swap3A_710 {strides = array<i32>} : memref<128x128xf32, #tpu.memory_space<vmem>>, vector<1x16xf32>,
      %sub3A_711 = arith.subf %get3A_290, %gather3A_629 : vector<16xf32>
      %mul3A_712 = arith.mulf %sub3A_711, %gather3A_633 : vector<16xf32>
      %mul3A_713 = arith.mulf %mul3A_712, %get3A_25 : vector<16xf32>
      %add3A_714 = arith.addf %mul3A_713, %get3A_49 : vector<16xf32>
      %add3A_715 = arith.constant 1 : i32
      %add3A_716 = arith.addi %add3A_177, %add3A_715 : i32
      %swap3A_717 = arith.index_cast %add3A_716 : i32 to index
      %swap3A_718 = arith.constant 112 : index
      %swap3A_719 = tpu.vector_load %arg8[%swap3A_717, %swap3A_718] {strides = array<i32>} : memref<128x128xf32, #tpu.memory_space<vmem>>, vector<1x16xf32>,
      %swap3A_720 = vector.shape_cast %swap3A_719 : vector<1x16xf32> to vector<16xf32>
      %swap3A_721 = vector.shape_cast %add3A_714 : vector<16xf32> to vector<1x16xf32>
      tpu.vector_store %arg8[%swap3A_717, %swap3A_718], %swap3A_721 {strides = array<i32>} : memref<128x128xf32, #tpu.memory_space<vmem>>, vector<1x16xf32>,
      %broadcast_in_dim3A_722 = arith.constant 2 : i32
      %broadcast_in_dim3A_723 = vector.broadcast %broadcast_in_dim3A_722 : i32 to vector<16x1xi32>
      %gather3A_724 = vector.shape_cast %broadcast_in_dim3A_723 : vector<16x1xi32> to vector<16xi32>
      %gather3A_725 = tpu.dynamic_gather %mul3A_503[%gather3A_724] in [0] : vector<16xf32>, vector<16xi32> -> vector<16xf32>
      %broadcast_in_dim3A_726 = arith.constant 2 : i32
      %broadcast_in_dim3A_727 = vector.broadcast %broadcast_in_dim3A_726 : i32 to vector<16x1xi32>
      %gather3A_728 = vector.shape_cast %broadcast_in_dim3A_727 : vector<16x1xi32> to vector<16xi32>
      %gather3A_729 = tpu.dynamic_gather %mul3A_530[%gather3A_728] in [0] : vector<16xf32>, vector<16xi32> -> vector<16xf32>
      %sub3A_730 = arith.subf %get3A_342, %gather3A_725 : vector<16xf32>
      %mul3A_731 = arith.mulf %sub3A_730, %gather3A_729 : vector<16xf32>
      %mul3A_732 = arith.mulf %mul3A_731, %get3A_4 : vector<16xf32>
      %add3A_733 = arith.addf %mul3A_732, %get3A_28 : vector<16xf32>
      %add3A_734 = arith.constant 2 : i32
      %add3A_735 = arith.addi %add3A_177, %add3A_734 : i32
      %swap3A_736 = arith.index_cast %add3A_735 : i32 to index
      %swap3A_737 = arith.constant 0 : index
      %swap3A_738 = tpu.vector_load %arg8[%swap3A_736, %swap3A_737] {strides = array<i32>} : memref<128x128xf32, #tpu.memory_space<vmem>>, vector<1x16xf32>,
      %swap3A_739 = vector.shape_cast %swap3A_738 : vector<1x16xf32> to vector<16xf32>
      %swap3A_740 = vector.shape_cast %add3A_733 : vector<16xf32> to vector<1x16xf32>
      tpu.vector_store %arg8[%swap3A_736, %swap3A_737], %swap3A_740 {strides = array<i32>} : memref<128x128xf32, #tpu.memory_space<vmem>>, vector<1x16xf32>,
      %sub3A_741 = arith.subf %get3A_346, %gather3A_725 : vector<16xf32>
      %mul3A_742 = arith.mulf %sub3A_741, %gather3A_729 : vector<16xf32>
      %mul3A_743 = arith.mulf %mul3A_742, %get3A_7 : vector<16xf32>
      %add3A_744 = arith.addf %mul3A_743, %get3A_31 : vector<16xf32>
      %add3A_745 = arith.constant 2 : i32
      %add3A_746 = arith.addi %add3A_177, %add3A_745 : i32
      %swap3A_747 = arith.index_cast %add3A_746 : i32 to index
      %swap3A_748 = arith.constant 16 : index
      %swap3A_749 = tpu.vector_load %arg8[%swap3A_747, %swap3A_748] {strides = array<i32>} : memref<128x128xf32, #tpu.memory_space<vmem>>, vector<1x16xf32>,
      %swap3A_750 = vector.shape_cast %swap3A_749 : vector<1x16xf32> to vector<16xf32>
      %swap3A_751 = vector.shape_cast %add3A_744 : vector<16xf32> to vector<1x16xf32>
      tpu.vector_store %arg8[%swap3A_747, %swap3A_748], %swap3A_751 {strides = array<i32>} : memref<128x128xf32, #tpu.memory_space<vmem>>, vector<1x16xf32>,
      %sub3A_752 = arith.subf %get3A_350, %gather3A_725 : vector<16xf32>
      %mul3A_753 = arith.mulf %sub3A_752, %gather3A_729 : vector<16xf32>
      %mul3A_754 = arith.mulf %mul3A_753, %get3A_10 : vector<16xf32>
      %add3A_755 = arith.addf %mul3A_754, %get3A_34 : vector<16xf32>
      %add3A_756 = arith.constant 2 : i32
      %add3A_757 = arith.addi %add3A_177, %add3A_756 : i32
      %swap3A_758 = arith.index_cast %add3A_757 : i32 to index
      %swap3A_759 = arith.constant 32 : index
      %swap3A_760 = tpu.vector_load %arg8[%swap3A_758, %swap3A_759] {strides = array<i32>} : memref<128x128xf32, #tpu.memory_space<vmem>>, vector<1x16xf32>,
      %swap3A_761 = vector.shape_cast %swap3A_760 : vector<1x16xf32> to vector<16xf32>
      %swap3A_762 = vector.shape_cast %add3A_755 : vector<16xf32> to vector<1x16xf32>
      tpu.vector_store %arg8[%swap3A_758, %swap3A_759], %swap3A_762 {strides = array<i32>} : memref<128x128xf32, #tpu.memory_space<vmem>>, vector<1x16xf32>,
      %sub3A_763 = arith.subf %get3A_354, %gather3A_725 : vector<16xf32>
      %mul3A_764 = arith.mulf %sub3A_763, %gather3A_729 : vector<16xf32>
      %mul3A_765 = arith.mulf %mul3A_764, %get3A_13 : vector<16xf32>
      %add3A_766 = arith.addf %mul3A_765, %get3A_37 : vector<16xf32>
      %add3A_767 = arith.constant 2 : i32
      %add3A_768 = arith.addi %add3A_177, %add3A_767 : i32
      %swap3A_769 = arith.index_cast %add3A_768 : i32 to index
      %swap3A_770 = arith.constant 48 : index
      %swap3A_771 = tpu.vector_load %arg8[%swap3A_769, %swap3A_770] {strides = array<i32>} : memref<128x128xf32, #tpu.memory_space<vmem>>, vector<1x16xf32>,
      %swap3A_772 = vector.shape_cast %swap3A_771 : vector<1x16xf32> to vector<16xf32>
      %swap3A_773 = vector.shape_cast %add3A_766 : vector<16xf32> to vector<1x16xf32>
      tpu.vector_store %arg8[%swap3A_769, %swap3A_770], %swap3A_773 {strides = array<i32>} : memref<128x128xf32, #tpu.memory_space<vmem>>, vector<1x16xf32>,
      %sub3A_774 = arith.subf %get3A_358, %gather3A_725 : vector<16xf32>
      %mul3A_775 = arith.mulf %sub3A_774, %gather3A_729 : vector<16xf32>
      %mul3A_776 = arith.mulf %mul3A_775, %get3A_16 : vector<16xf32>
      %add3A_777 = arith.addf %mul3A_776, %get3A_40 : vector<16xf32>
      %add3A_778 = arith.constant 2 : i32
      %add3A_779 = arith.addi %add3A_177, %add3A_778 : i32
      %swap3A_780 = arith.index_cast %add3A_779 : i32 to index
      %swap3A_781 = arith.constant 64 : index
      %swap3A_782 = tpu.vector_load %arg8[%swap3A_780, %swap3A_781] {strides = array<i32>} : memref<128x128xf32, #tpu.memory_space<vmem>>, vector<1x16xf32>,
      %swap3A_783 = vector.shape_cast %swap3A_782 : vector<1x16xf32> to vector<16xf32>
      %swap3A_784 = vector.shape_cast %add3A_777 : vector<16xf32> to vector<1x16xf32>
      tpu.vector_store %arg8[%swap3A_780, %swap3A_781], %swap3A_784 {strides = array<i32>} : memref<128x128xf32, #tpu.memory_space<vmem>>, vector<1x16xf32>,
      %sub3A_785 = arith.subf %get3A_362, %gather3A_725 : vector<16xf32>
      %mul3A_786 = arith.mulf %sub3A_785, %gather3A_729 : vector<16xf32>
      %mul3A_787 = arith.mulf %mul3A_786, %get3A_19 : vector<16xf32>
      %add3A_788 = arith.addf %mul3A_787, %get3A_43 : vector<16xf32>
      %add3A_789 = arith.constant 2 : i32
      %add3A_790 = arith.addi %add3A_177, %add3A_789 : i32
      %swap3A_791 = arith.index_cast %add3A_790 : i32 to index
      %swap3A_792 = arith.constant 80 : index
      %swap3A_793 = tpu.vector_load %arg8[%swap3A_791, %swap3A_792] {strides = array<i32>} : memref<128x128xf32, #tpu.memory_space<vmem>>, vector<1x16xf32>,
      %swap3A_794 = vector.shape_cast %swap3A_793 : vector<1x16xf32> to vector<16xf32>
      %swap3A_795 = vector.shape_cast %add3A_788 : vector<16xf32> to vector<1x16xf32>
      tpu.vector_store %arg8[%swap3A_791, %swap3A_792], %swap3A_795 {strides = array<i32>} : memref<128x128xf32, #tpu.memory_space<vmem>>, vector<1x16xf32>,
      %sub3A_796 = arith.subf %get3A_366, %gather3A_725 : vector<16xf32>
      %mul3A_797 = arith.mulf %sub3A_796, %gather3A_729 : vector<16xf32>
      %mul3A_798 = arith.mulf %mul3A_797, %get3A_22 : vector<16xf32>
      %add3A_799 = arith.addf %mul3A_798, %get3A_46 : vector<16xf32>
      %add3A_800 = arith.constant 2 : i32
      %add3A_801 = arith.addi %add3A_177, %add3A_800 : i32
      %swap3A_802 = arith.index_cast %add3A_801 : i32 to index
      %swap3A_803 = arith.constant 96 : index
      %swap3A_804 = tpu.vector_load %arg8[%swap3A_802, %swap3A_803] {strides = array<i32>} : memref<128x128xf32, #tpu.memory_space<vmem>>, vector<1x16xf32>,
      %swap3A_805 = vector.shape_cast %swap3A_804 : vector<1x16xf32> to vector<16xf32>
      %swap3A_806 = vector.shape_cast %add3A_799 : vector<16xf32> to vector<1x16xf32>
      tpu.vector_store %arg8[%swap3A_802, %swap3A_803], %swap3A_806 {strides = array<i32>} : memref<128x128xf32, #tpu.memory_space<vmem>>, vector<1x16xf32>,
      %sub3A_807 = arith.subf %get3A_370, %gather3A_725 : vector<16xf32>
      %mul3A_808 = arith.mulf %sub3A_807, %gather3A_729 : vector<16xf32>
      %mul3A_809 = arith.mulf %mul3A_808, %get3A_25 : vector<16xf32>
      %add3A_810 = arith.addf %mul3A_809, %get3A_49 : vector<16xf32>
      %add3A_811 = arith.constant 2 : i32
      %add3A_812 = arith.addi %add3A_177, %add3A_811 : i32
      %swap3A_813 = arith.index_cast %add3A_812 : i32 to index
      %swap3A_814 = arith.constant 112 : index
      %swap3A_815 = tpu.vector_load %arg8[%swap3A_813, %swap3A_814] {strides = array<i32>} : memref<128x128xf32, #tpu.memory_space<vmem>>, vector<1x16xf32>,
      %swap3A_816 = vector.shape_cast %swap3A_815 : vector<1x16xf32> to vector<16xf32>
      %swap3A_817 = vector.shape_cast %add3A_810 : vector<16xf32> to vector<1x16xf32>
      tpu.vector_store %arg8[%swap3A_813, %swap3A_814], %swap3A_817 {strides = array<i32>} : memref<128x128xf32, #tpu.memory_space<vmem>>, vector<1x16xf32>,
      %broadcast_in_dim3A_818 = arith.constant 3 : i32
      %broadcast_in_dim3A_819 = vector.broadcast %broadcast_in_dim3A_818 : i32 to vector<16x1xi32>
      %gather3A_820 = vector.shape_cast %broadcast_in_dim3A_819 : vector<16x1xi32> to vector<16xi32>
      %gather3A_821 = tpu.dynamic_gather %mul3A_503[%gather3A_820] in [0] : vector<16xf32>, vector<16xi32> -> vector<16xf32>
      %broadcast_in_dim3A_822 = arith.constant 3 : i32
      %broadcast_in_dim3A_823 = vector.broadcast %broadcast_in_dim3A_822 : i32 to vector<16x1xi32>
      %gather3A_824 = vector.shape_cast %broadcast_in_dim3A_823 : vector<16x1xi32> to vector<16xi32>
      %gather3A_825 = tpu.dynamic_gather %mul3A_530[%gather3A_824] in [0] : vector<16xf32>, vector<16xi32> -> vector<16xf32>
      %sub3A_826 = arith.subf %get3A_422, %gather3A_821 : vector<16xf32>
      %mul3A_827 = arith.mulf %sub3A_826, %gather3A_825 : vector<16xf32>
      %mul3A_828 = arith.mulf %mul3A_827, %get3A_4 : vector<16xf32>
      %add3A_829 = arith.addf %mul3A_828, %get3A_28 : vector<16xf32>
      %add3A_830 = arith.constant 3 : i32
      %add3A_831 = arith.addi %add3A_177, %add3A_830 : i32
      %swap3A_832 = arith.index_cast %add3A_831 : i32 to index
      %swap3A_833 = arith.constant 0 : index
      %swap3A_834 = tpu.vector_load %arg8[%swap3A_832, %swap3A_833] {strides = array<i32>} : memref<128x128xf32, #tpu.memory_space<vmem>>, vector<1x16xf32>,
      %swap3A_835 = vector.shape_cast %swap3A_834 : vector<1x16xf32> to vector<16xf32>
      %swap3A_836 = vector.shape_cast %add3A_829 : vector<16xf32> to vector<1x16xf32>
      tpu.vector_store %arg8[%swap3A_832, %swap3A_833], %swap3A_836 {strides = array<i32>} : memref<128x128xf32, #tpu.memory_space<vmem>>, vector<1x16xf32>,
      %sub3A_837 = arith.subf %get3A_426, %gather3A_821 : vector<16xf32>
      %mul3A_838 = arith.mulf %sub3A_837, %gather3A_825 : vector<16xf32>
      %mul3A_839 = arith.mulf %mul3A_838, %get3A_7 : vector<16xf32>
      %add3A_840 = arith.addf %mul3A_839, %get3A_31 : vector<16xf32>
      %add3A_841 = arith.constant 3 : i32
      %add3A_842 = arith.addi %add3A_177, %add3A_841 : i32
      %swap3A_843 = arith.index_cast %add3A_842 : i32 to index
      %swap3A_844 = arith.constant 16 : index
      %swap3A_845 = tpu.vector_load %arg8[%swap3A_843, %swap3A_844] {strides = array<i32>} : memref<128x128xf32, #tpu.memory_space<vmem>>, vector<1x16xf32>,
      %swap3A_846 = vector.shape_cast %swap3A_845 : vector<1x16xf32> to vector<16xf32>
      %swap3A_847 = vector.shape_cast %add3A_840 : vector<16xf32> to vector<1x16xf32>
      tpu.vector_store %arg8[%swap3A_843, %swap3A_844], %swap3A_847 {strides = array<i32>} : memref<128x128xf32, #tpu.memory_space<vmem>>, vector<1x16xf32>,
      %sub3A_848 = arith.subf %get3A_430, %gather3A_821 : vector<16xf32>
      %mul3A_849 = arith.mulf %sub3A_848, %gather3A_825 : vector<16xf32>
      %mul3A_850 = arith.mulf %mul3A_849, %get3A_10 : vector<16xf32>
      %add3A_851 = arith.addf %mul3A_850, %get3A_34 : vector<16xf32>
      %add3A_852 = arith.constant 3 : i32
      %add3A_853 = arith.addi %add3A_177, %add3A_852 : i32
      %swap3A_854 = arith.index_cast %add3A_853 : i32 to index
      %swap3A_855 = arith.constant 32 : index
      %swap3A_856 = tpu.vector_load %arg8[%swap3A_854, %swap3A_855] {strides = array<i32>} : memref<128x128xf32, #tpu.memory_space<vmem>>, vector<1x16xf32>,
      %swap3A_857 = vector.shape_cast %swap3A_856 : vector<1x16xf32> to vector<16xf32>
      %swap3A_858 = vector.shape_cast %add3A_851 : vector<16xf32> to vector<1x16xf32>
      tpu.vector_store %arg8[%swap3A_854, %swap3A_855], %swap3A_858 {strides = array<i32>} : memref<128x128xf32, #tpu.memory_space<vmem>>, vector<1x16xf32>,
      %sub3A_859 = arith.subf %get3A_434, %gather3A_821 : vector<16xf32>
      %mul3A_860 = arith.mulf %sub3A_859, %gather3A_825 : vector<16xf32>
      %mul3A_861 = arith.mulf %mul3A_860, %get3A_13 : vector<16xf32>
      %add3A_862 = arith.addf %mul3A_861, %get3A_37 : vector<16xf32>
      %add3A_863 = arith.constant 3 : i32
      %add3A_864 = arith.addi %add3A_177, %add3A_863 : i32
      %swap3A_865 = arith.index_cast %add3A_864 : i32 to index
      %swap3A_866 = arith.constant 48 : index
      %swap3A_867 = tpu.vector_load %arg8[%swap3A_865, %swap3A_866] {strides = array<i32>} : memref<128x128xf32, #tpu.memory_space<vmem>>, vector<1x16xf32>,
      %swap3A_868 = vector.shape_cast %swap3A_867 : vector<1x16xf32> to vector<16xf32>
      %swap3A_869 = vector.shape_cast %add3A_862 : vector<16xf32> to vector<1x16xf32>
      tpu.vector_store %arg8[%swap3A_865, %swap3A_866], %swap3A_869 {strides = array<i32>} : memref<128x128xf32, #tpu.memory_space<vmem>>, vector<1x16xf32>,
      %sub3A_870 = arith.subf %get3A_438, %gather3A_821 : vector<16xf32>
      %mul3A_871 = arith.mulf %sub3A_870, %gather3A_825 : vector<16xf32>
      %mul3A_872 = arith.mulf %mul3A_871, %get3A_16 : vector<16xf32>
      %add3A_873 = arith.addf %mul3A_872, %get3A_40 : vector<16xf32>
      %add3A_874 = arith.constant 3 : i32
      %add3A_875 = arith.addi %add3A_177, %add3A_874 : i32
      %swap3A_876 = arith.index_cast %add3A_875 : i32 to index
      %swap3A_877 = arith.constant 64 : index
      %swap3A_878 = tpu.vector_load %arg8[%swap3A_876, %swap3A_877] {strides = array<i32>} : memref<128x128xf32, #tpu.memory_space<vmem>>, vector<1x16xf32>,
      %swap3A_879 = vector.shape_cast %swap3A_878 : vector<1x16xf32> to vector<16xf32>
      %swap3A_880 = vector.shape_cast %add3A_873 : vector<16xf32> to vector<1x16xf32>
      tpu.vector_store %arg8[%swap3A_876, %swap3A_877], %swap3A_880 {strides = array<i32>} : memref<128x128xf32, #tpu.memory_space<vmem>>, vector<1x16xf32>,
      %sub3A_881 = arith.subf %get3A_442, %gather3A_821 : vector<16xf32>
      %mul3A_882 = arith.mulf %sub3A_881, %gather3A_825 : vector<16xf32>
      %mul3A_883 = arith.mulf %mul3A_882, %get3A_19 : vector<16xf32>
      %add3A_884 = arith.addf %mul3A_883, %get3A_43 : vector<16xf32>
      %add3A_885 = arith.constant 3 : i32
      %add3A_886 = arith.addi %add3A_177, %add3A_885 : i32
      %swap3A_887 = arith.index_cast %add3A_886 : i32 to index
      %swap3A_888 = arith.constant 80 : index
      %swap3A_889 = tpu.vector_load %arg8[%swap3A_887, %swap3A_888] {strides = array<i32>} : memref<128x128xf32, #tpu.memory_space<vmem>>, vector<1x16xf32>,
      %swap3A_890 = vector.shape_cast %swap3A_889 : vector<1x16xf32> to vector<16xf32>
      %swap3A_891 = vector.shape_cast %add3A_884 : vector<16xf32> to vector<1x16xf32>
      tpu.vector_store %arg8[%swap3A_887, %swap3A_888], %swap3A_891 {strides = array<i32>} : memref<128x128xf32, #tpu.memory_space<vmem>>, vector<1x16xf32>,
      %sub3A_892 = arith.subf %get3A_446, %gather3A_821 : vector<16xf32>
      %mul3A_893 = arith.mulf %sub3A_892, %gather3A_825 : vector<16xf32>
      %mul3A_894 = arith.mulf %mul3A_893, %get3A_22 : vector<16xf32>
      %add3A_895 = arith.addf %mul3A_894, %get3A_46 : vector<16xf32>
      %add3A_896 = arith.constant 3 : i32
      %add3A_897 = arith.addi %add3A_177, %add3A_896 : i32
      %swap3A_898 = arith.index_cast %add3A_897 : i32 to index
      %swap3A_899 = arith.constant 96 : index
      %swap3A_900 = tpu.vector_load %arg8[%swap3A_898, %swap3A_899] {strides = array<i32>} : memref<128x128xf32, #tpu.memory_space<vmem>>, vector<1x16xf32>,
      %swap3A_901 = vector.shape_cast %swap3A_900 : vector<1x16xf32> to vector<16xf32>
      %swap3A_902 = vector.shape_cast %add3A_895 : vector<16xf32> to vector<1x16xf32>
      tpu.vector_store %arg8[%swap3A_898, %swap3A_899], %swap3A_902 {strides = array<i32>} : memref<128x128xf32, #tpu.memory_space<vmem>>, vector<1x16xf32>,
      %sub3A_903 = arith.subf %get3A_450, %gather3A_821 : vector<16xf32>
      %mul3A_904 = arith.mulf %sub3A_903, %gather3A_825 : vector<16xf32>
      %mul3A_905 = arith.mulf %mul3A_904, %get3A_25 : vector<16xf32>
      %add3A_906 = arith.addf %mul3A_905, %get3A_49 : vector<16xf32>
      %add3A_907 = arith.constant 3 : i32
      %add3A_908 = arith.addi %add3A_177, %add3A_907 : i32
      %swap3A_909 = arith.index_cast %add3A_908 : i32 to index
      %swap3A_910 = arith.constant 112 : index
      %swap3A_911 = tpu.vector_load %arg8[%swap3A_909, %swap3A_910] {strides = array<i32>} : memref<128x128xf32, #tpu.memory_space<vmem>>, vector<1x16xf32>,
      %swap3A_912 = vector.shape_cast %swap3A_911 : vector<1x16xf32> to vector<16xf32>
      %swap3A_913 = vector.shape_cast %add3A_906 : vector<16xf32> to vector<1x16xf32>
      tpu.vector_store %arg8[%swap3A_909, %swap3A_910], %swap3A_913 {strides = array<i32>} : memref<128x128xf32, #tpu.memory_space<vmem>>, vector<1x16xf32>,
    }
    %scan3A_136 = arith.constant 16 : i32
    %add3A_137 = arith.constant 64 : i32
    %add3A_138 = arith.addi %mul3A_2, %add3A_137 : i32
    %dma_start3A_139 = arith.constant 64 : i32
    %dma_start3A_140 = arith.constant 0 : i32
    %dma_start3A_141 = tpu.memref_slice %arg8[%dma_start3A_139, %dma_start3A_140] : memref<128x128xf32, #tpu.memory_space<vmem>> -> memref<64x128xf32, #tpu.memory_space<vmem>>
    %dma_start3A_142 = arith.constant 0 : i32
    %dma_start3A_143 = tpu.memref_slice %arg6[%add3A_138, %dma_start3A_142] : memref<4096x128xf32, #tpu.memory_space<hbm>> -> memref<64x128xf32, #tpu.memory_space<hbm>>
    %dma_start3A_144 = arith.constant 0 : i32
    %dma_start3A_145 = tpu.memref_slice %arg6[%add3A_138, %dma_start3A_144] : memref<4096x128xf32, #tpu.memory_space<hbm>> -> memref<64x128xf32, #tpu.memory_space<hbm>>
    %dma_start3A_146 = arith.constant 64 : i32
    %dma_start3A_147 = arith.constant 0 : i32
    %dma_start3A_148 = tpu.memref_slice %arg8[%dma_start3A_146, %dma_start3A_147] : memref<128x128xf32, #tpu.memory_space<vmem>> -> memref<64x128xf32, #tpu.memory_space<vmem>>
    tpu.enqueue_dma source(%dma_start3A_148 : memref<64x128xf32, #tpu.memory_space<vmem>>) target(%dma_start3A_145 : memref<64x128xf32, #tpu.memory_space<hbm>>) target_semaphore(%arg16 : memref<!tpu.dma_semaphore, #tpu.memory_space<semaphore_mem>>)
    %add3A_149 = arith.constant 0 : i32
    %add3A_150 = arith.addi %mul3A_2, %add3A_149 : i32
    %dma_wait3A_151 = arith.constant 0 : i32
    %dma_wait3A_152 = arith.constant 0 : i32
    %dma_wait3A_153 = tpu.memref_slice %arg8[%dma_wait3A_151, %dma_wait3A_152] : memref<128x128xf32, #tpu.memory_space<vmem>> -> memref<64x128xf32, #tpu.memory_space<vmem>>
    %dma_wait3A_154 = arith.constant 0 : i32
    %dma_wait3A_155 = tpu.memref_slice %arg6[%add3A_150, %dma_wait3A_154] : memref<4096x128xf32, #tpu.memory_space<hbm>> -> memref<64x128xf32, #tpu.memory_space<hbm>>
    %dma_wait3A_156 = arith.constant 0 : i32
    %dma_wait3A_157 = tpu.memref_slice %arg6[%add3A_150, %dma_wait3A_156] : memref<4096x128xf32, #tpu.memory_space<hbm>> -> memref<64x128xf32, #tpu.memory_space<hbm>>
    %dma_wait3A_158 = arith.constant 0 : i32
    %dma_wait3A_159 = arith.constant 0 : i32
    %dma_wait3A_160 = tpu.memref_slice %arg8[%dma_wait3A_158, %dma_wait3A_159] : memref<128x128xf32, #tpu.memory_space<vmem>> -> memref<64x128xf32, #tpu.memory_space<vmem>>
    tpu.wait_dma2 semaphore(%arg15 : memref<!tpu.dma_semaphore, #tpu.memory_space<semaphore_mem>>) src(%dma_wait3A_160 : memref<64x128xf32, #tpu.memory_space<vmem>>) dst(%dma_wait3A_157 : memref<64x128xf32, #tpu.memory_space<hbm>>)
    %add3A_161 = arith.constant 64 : i32
    %add3A_162 = arith.addi %mul3A_2, %add3A_161 : i32
    %dma_wait3A_163 = arith.constant 64 : i32
    %dma_wait3A_164 = arith.constant 0 : i32
    %dma_wait3A_165 = tpu.memref_slice %arg8[%dma_wait3A_163, %dma_wait3A_164] : memref<128x128xf32, #tpu.memory_space<vmem>> -> memref<64x128xf32, #tpu.memory_space<vmem>>
    %dma_wait3A_166 = arith.constant 0 : i32
    %dma_wait3A_167 = tpu.memref_slice %arg6[%add3A_162, %dma_wait3A_166] : memref<4096x128xf32, #tpu.memory_space<hbm>> -> memref<64x128xf32, #tpu.memory_space<hbm>>
    %dma_wait3A_168 = arith.constant 0 : i32
    %dma_wait3A_169 = tpu.memref_slice %arg6[%add3A_162, %dma_wait3A_168] : memref<4096x128xf32, #tpu.memory_space<hbm>> -> memref<64x128xf32, #tpu.memory_space<hbm>>
    %dma_wait3A_170 = arith.constant 64 : i32
    %dma_wait3A_171 = arith.constant 0 : i32
    %dma_wait3A_172 = tpu.memref_slice %arg8[%dma_wait3A_170, %dma_wait3A_171] : memref<128x128xf32, #tpu.memory_space<vmem>> -> memref<64x128xf32, #tpu.memory_space<vmem>>
    tpu.wait_dma2 semaphore(%arg16 : memref<!tpu.dma_semaphore, #tpu.memory_space<semaphore_mem>>) src(%dma_wait3A_172 : memref<64x128xf32, #tpu.memory_space<vmem>>) dst(%dma_wait3A_169 : memref<64x128xf32, #tpu.memory_space<hbm>>)
    return
  }
}

</mosaic_0001>

<sc_bundles>
// kernel: kernel.3.cloned.1.call-start
scs
__scs_entry_jumppad:
0x0: {  	(pc) =	sbr.rel $0x88, $3  }
0x1: {  	(tag) =	ssettag $0x0;
	lr =	simm.s32 $0x1  }
0x2: {  	[smem:$0x3F9D] =	sst lr;
	_ =	strace $0xD0000000  }
0x3: {  	_ = 	snop  }
0x4: {  	_ = 	snop  }
0x5: {  	_ = 	snop  }
0x6: {  	_ = 	snop  }
0x7: {  	_ = 	snop  }
__scs_overlays_trampoline_lowered:
0x8: {  	[smem:$0x3FAC] =	sst s0  }
0x9: {  	[smem:$0x3FAD] =	sst s1  }
0xa: {  	[smem:$0x3FAE] =	sst s2  }
0xb: {  	[smem:$0x3FAF] =	sst s3  }
0xc: {  	[smem:$0x3FB0] =	sst s4  }
0xd: {  	[smem:$0x3FB1] =	sst s5  }
0xe: {  	[smem:$0x3FB2] =	sst s6  }
0xf: {  	[smem:$0x3FB3] =	sst s7  }
0x10: {  	[smem:$0x3FB4] =	sst s8  }
0x11: {  	[smem:$0x3FB5] =	sst s9;
	s0 =	simm.s32 @!p0 $0x0  }
0x12: {  	s1 =	sld [smem:$0x3F9B];
	s0 =	simm.s32 @p0 $0x1  }
0x13: {  	[smem:$0x3FB6] =	sst s0;
	s0 =	simm.s32 @!p1 $0x0  }
0x14: {  	s2 =	sld [smem:$0x3F9A];
	s0 =	simm.s32 @p1 $0x1  }
0x15: {  	[smem:$0x3FB7] =	sst s0;
	s0 =	simm.s32 @!p2 $0x0  }
0x16: {  	s3 =	sld [smem:$0x3FDB];
	s0 =	simm.s32 @p2 $0x1  }
0x17: {  	s4 =	simm.s32 $0x1BF5;
	[smem:$0x3FB9] =	sst s0  }
0x18: {  	s0 =	sld [smem:$0x3F9C];
	_ =	swait.ge [sflag:s4], $0x0  }
0x19: {  	s7 =	sld [smem:$0x3F9D]  }
0x1a: {  	s8 =	sadd.s32 $0xFFFFE003, lr  }
0x1b: {  	s9 =	sadd.s32 $0xFFFFFEF7, lr;
	s5 =	simm.s32 $0xFFFFFFFF;
	p2 =	slt.u32 s8, $0xFFFFF086  }
0x1c: {  	p1 =	slt.u32 s9, $0xF7A;
	s5 =	simm.s32 @!p2 $0x0  }
0x1d: {  	s5 =	simm.s32 @p1 $0x1;
	p0 =	seq.s32 s7, s2  }
0x1e: {  	s7 =	smul.u32 @!p0 $0xF7A, s2;
	p2 =	seq.s32 @!p0 s5, $0x0  }
0x1f: {  	s9 =	smul.u32 $0xF7A, s1;
	s8 =	simm.s32 @!p0 $0x1BF5;
	p2 =	por !p2, p0  }
0x20: {  	[sflag:s8] =	ssyncset.s32 @!p0 $0xFFFFF086;
	s6 =	sadd.s32 @!p0 s3, s7;
	s7 =	simm.s32 @!p0 $0x108  }
0x21: {  	s3 =	sadd.s32 s3, s9;
	s6 =	sadd.s32 @!p0 $0x88, s6;
	s7 =	simm.s32 @p2 $0x1082  }
0x22: {  	[simem:s7], [sflag:s8] =	dma.local @!p0 [hbm:s6], $0xF7A  }
0x23: {  	s9 =	sor.u32 $0xD0000000, s2;
	s6 =	simm.s32 $0x108;
	_ =	swait.ge @!p0 [sflag:s8], $0x0  }
0x24: {  	s3 =	sadd.s32 $0x88, s3;
	s6 =	simm.s32 @!p1 $0x1082;
	[sflag:s4] =	ssyncset.s32 $0xFFFFF086  }
0x25: {  	[simem:s6], [sflag:s4] =	dma.local [hbm:s3], $0xF7A  }
0x26: {  	[smem:$0x3F9D] =	sst s1;
	(tag) =	ssettag s2;
	_ =	strace s9  }
0x27: {  	s1 =	sld [smem:$0x3FAD]  }
0x28: {  	s2 =	sld [smem:$0x3FAE]  }
0x29: {  	s4 =	sld [smem:$0x3FB0]  }
0x2a: {  	p0 =	seq.s32 s5, $0x0;
	s5 =	sld [smem:$0x3FB1]  }
0x2b: {  	s6 =	sld [smem:$0x3FB2]  }
0x2c: {  	s7 =	sld [smem:$0x3FB3]  }
0x2d: {  	s3 =	simm.s32 $0x108;
	s8 =	sld [smem:$0x3FB4]  }
0x2e: {  	s3 =	simm.s32 @!p0 $0x1082;
	s9 =	sld [smem:$0x3FB5]  }
0x2f: {  	lr =	sadd.s32 s0, s3;
	s0 =	sld [smem:$0x3FAC]  }
0x30: {  	s3 =	sld [smem:$0x3FAF]  }
0x31: {  	[smem:$0x3FB8] =	sst s10  }
0x32: {  	s10 =	sld [smem:$0x3FB6];
	_ =	sdelay $0x3  }
0x33: {  	p0 =	seq.s32 s10, $0x1;
	s10 =	sld [smem:$0x3FB8];
	_ =	sdelay $0x3  }
0x34: {  	[smem:$0x3FB8] =	sst s10  }
0x35: {  	s10 =	sld [smem:$0x3FB7];
	_ =	sdelay $0x3  }
0x36: {  	p1 =	seq.s32 s10, $0x1;
	s10 =	sld [smem:$0x3FB8];
	_ =	sdelay $0x3  }
0x37: {  	[smem:$0x3FB8] =	sst s10  }
0x38: {  	s10 =	sld [smem:$0x3FB9]  }
0x39: {  	_ = 	snop;
	(pc) =	sbr.ind lr, $3  }
0x3a: {  	_ = 	snop  }
0x3b: {  	_ = 	snop  }
0x3c: {  	p2 =	seq.s32 s10, $0x1;
	s10 =	sld [smem:$0x3FB8]  }
0x3d: {  	_ =	shalt  }
0x3e: {  	_ =	shalt  }
0x3f: {  	_ =	shalt  }
0x40: {  	_ =	shalt  }
0x41: {  	_ =	shalt  }
0x42: {  	_ =	shalt  }
0x43: {  	_ =	shalt  }
0x44: {  	_ =	shalt  }
0x45: {  	_ =	shalt  }
0x46: {  	_ =	shalt  }
0x47: {  	_ =	shalt  }
0x48: {  	_ =	shalt  }
0x49: {  	_ =	shalt  }
0x4a: {  	_ =	shalt  }
0x4b: {  	_ =	shalt  }
0x4c: {  	_ =	shalt  }
0x4d: {  	_ =	shalt  }
0x4e: {  	_ =	shalt  }
0x4f: {  	_ =	shalt  }
0x50: {  	_ =	shalt  }
0x51: {  	_ =	shalt  }
0x52: {  	_ =	shalt  }
0x53: {  	_ =	shalt  }
0x54: {  	_ =	shalt  }
0x55: {  	_ =	shalt  }
0x56: {  	_ =	shalt  }
0x57: {  	_ =	shalt  }
0x58: {  	_ =	shalt  }
0x59: {  	_ =	shalt  }
0x5a: {  	_ =	shalt  }
0x5b: {  	_ =	shalt  }
0x5c: {  	_ =	shalt  }
0x5d: {  	_ =	shalt  }
0x5e: {  	_ =	shalt  }
0x5f: {  	_ =	shalt  }
0x60: {  	_ =	shalt  }
0x61: {  	_ =	shalt  }
0x62: {  	_ =	shalt  }
0x63: {  	_ =	shalt  }
0x64: {  	_ =	shalt  }
0x65: {  	_ =	shalt  }
0x66: {  	_ =	shalt  }
0x67: {  	_ =	shalt  }
0x68: {  	_ =	shalt  }
0x69: {  	_ =	shalt  }
0x6a: {  	_ =	shalt  }
0x6b: {  	_ =	shalt  }
0x6c: {  	_ =	shalt  }
0x6d: {  	_ =	shalt  }
0x6e: {  	_ =	shalt  }
0x6f: {  	_ =	shalt  }
0x70: {  	_ =	shalt  }
0x71: {  	_ =	shalt  }
0x72: {  	_ =	shalt  }
0x73: {  	_ =	shalt  }
0x74: {  	_ =	shalt  }
0x75: {  	_ =	shalt  }
0x76: {  	_ =	shalt  }
0x77: {  	_ =	shalt  }
0x78: {  	_ =	shalt  }
0x79: {  	_ =	shalt  }
0x7a: {  	_ =	shalt  }
0x7b: {  	_ =	shalt  }
0x7c: {  	_ =	shalt  }
0x7d: {  	_ =	shalt  }
0x7e: {  	_ =	shalt  }
0x7f: {  	_ =	shalt  }
0x80: {  	_ =	shalt  }
0x81: {  	_ =	shalt  }
0x82: {  	_ =	shalt  }
0x83: {  	_ =	shalt  }
0x84: {  	_ =	shalt  }
0x85: {  	_ =	shalt  }
0x86: {  	_ =	shalt  }
0x87: {  	_ =	shalt  }
.Lfunc_end0:
.L_simem_size_0:
called_computation_lowered:
.L_overlay_start_0:
0x88: {  	s2 =	sld [smem:$0x3FD9]  }
0x89: {  	s3 =	sld [smem:$0x3FFE];
	_ =	sdelay $0x1  }
0x8a: {  	s1 =	srdreg.scid  }
0x8b: {  	s0 =	sand.u32 $0x1, s1  }
0x8c: {  	s18 =	sshll.u32 s0, $0xA;
	s2 =	sadd.s32 s3, s2  }
0x8d: {  	s2 =	sadd.s32 s2, s18  }
0x8e: {  	[smem:$0x3FC4] =	sst s2  }
0x8f: {  	_ = 	snop  }
0x90: {  	s2 =	sld [smem:$0x3FC9]  }
0x91: {  	s19 =	sld [smem:$0x3FC8]  }
0x92: {  	s4 =	sld [smem:$0x3FC7]  }
0x93: {  	s5 =	sld [smem:$0x3FC6]  }
0x94: {  	s6 =	sld [smem:$0x3FD0];
	(tm) =	ssettm $0x1  }
0x95: {  	s7 =	sld [smem:$0x3FFB];
	_ =	sdelay $0x3  }
0x96: {  	_ =	strace s7  }
0x97: {  	s7 =	sld [smem:$0x3FFC];
	_ =	sdelay $0x3  }
0x98: {  	_ =	strace s7  }
0x99: {  	s7 =	sld [smem:$0x3FFD];
	_ =	sdelay $0x3  }
0x9a: {  	_ =	strace s7  }
0x9b: {  	_ =	strace $0x8FFFFFFF  }
0x9c: {  	s20 =	sld [smem:$0x3FDB];
	_ =	sdelay $0x1  }
0x9d: {  	s8 =	simm.s32 $_scs_section_size  }
0x9e: {  	s9 =	simm.s32 $_size__tile_overlayer_lowered;
	s10 =	simm.s32 $_tile_overlayer_lowered  }
0x9f: {  	s23 =	simm.s32 $0x1BFF;
	s22 =	sshll.u32 s10, $0x1;
	s7 =	sadd.s32 s8, s20  }
0xa0: {  	s11 =	simm.s32 $0x0;
	s21 =	sshll.u32 s9, $0x1;
	s9 =	sadd.s32 s22, s7  }
0xa1: {  	[timem:s11], [sflag:s23] =	dma.local [hbm:s9], s21  }
0xa2: {  	_ =	swait.ge [sflag:s23], s21  }
0xa3: {  	s8 =	ssub.s32 $0x0, s21;
	[sflag:s23] =	ssyncset.done $0x0  }
0xa4: {  	[sflag:s23] =	ssyncadd.s32 s8;
	_ =	sdelay $0x1  }
0xa5: {  	s24 =	simm.s32 $0x1B8B  }
0xa6: {  	_ =	swait.ge [sflag:s24], $0x1  }
0xa7: {  	[sflag:s24] =	ssyncset.done $0x0  }
0xa8: {  	s25 =	simm.s32 $0x1B8E;
	[sflag:s24] =	ssyncadd.s32 $0xFFFFFFFF  }
0xa9: {  	s26 =	simm.s32 $execute0_lowered;
	[smem:$0x3FD2] =	sst s25  }
0xaa: {  	s8 =	sshll.u32 s26, $0x1;
	_ =	strace $0x80000046;
	[dreg:$0x1] =	wrdreg $0xFFFFFFFF  }
0xab: {  	s28 =	simm.s32 $_size_execute0_lowered;
	s7 =	sadd.s32 s7, s8;
	[dreg:$0x0] =	wrdreg $0x0  }
0xac: {  	s8 =	sshll.u32 s28, $0x1;
	[dreg:$0x2] =	wrdreg s7  }
0xad: {  	[dreg:$0x3] =	wrdreg s8  }
0xae: {  	[dreg:$0x4] =	wrdreg $0xC0  }
0xaf: {  	_ =	task [dreg:s11], $0x5FFFF  }
0xb0: {  	[dreg:$0x1] =	wrdreg $0xFFFFFFFF  }
0xb1: {  	[dreg:$0x0] =	wrdreg $0x60  }
0xb2: {  	[dreg:$0x2] =	wrdreg s2  }
0xb3: {  	[dreg:$0x3] =	wrdreg s19  }
0xb4: {  	[dreg:$0x4] =	wrdreg s4  }
0xb5: {  	[dreg:$0x5] =	wrdreg s5  }
0xb6: {  	[dreg:$0x6] =	wrdreg s6  }
0xb7: {  	[dreg:$0x7] =	wrdreg $0x9  }
0xb8: {  	_ =	task.clear_ibuf [dreg:s11], $0x8FFFF;
	_ =	strace $0x90000046  }
0xb9: {  	s29 =	simm.s32 $0x9;
	_ =	strace $0x80000048  }
0xba: {  	_ =	swait.ge [sflag:s29], $0x1  }
0xbb: {  	[sflag:s29] =	ssyncadd.s32 $0xFFFFFFFF  }
0xbc: {  	_ =	strace $0x90000048  }
0xbd: {  	_ =	sfence  }
0xbe: {  	s30 =	sld [smem:$0x0];
	_ =	sdelay $0x2  }
0xbf: {  	s31 =	sshll.u32 s1, $0xD;
	s1 =	sshrl.u32 s1, $0x2  }
0xc0: {  	s3 =	sand.u32 $0x4000, s31;
	s1 =	sadd.s32 s1, s30  }
0xc1: {  	s0 =	sor.u32 s3, s0;
	s1 =	sshll.u32 s1, $0x11  }
0xc2: {  	s0 =	sor.u32 s1, s0  }
0xc3: {  	s0 =	sadd.s32 $0x8F2B, s0  }
0xc4: {  	[sflag:s0] =	ssyncadd.remote.s32 $0x1  }
0xc5: {  	_ =	sfence.sel $0xFFFF  }
0xc6: {  	[dreg:$0x0] =	wrdreg $0xFFFFFFFF;
	(pc) =	sbr.abs _section_cstart, $3  }
0xc7: {  	[dreg:$0x1] =	wrdreg $0xFFFFFFFF  }
0xc8: {  	_ =	task.clear_ibuf [dreg:s11], $0x2FFFF;
	_ =	strace $0x9FFFFFFF  }
0xc9: {  	(tm) =	ssettm $0x7FFFFFFF  }
tec
execute0_lowered:
.L_overlay_start_1:
0x0: {  	(tag) =	ssettag $0x1  }
0x1: {  	s7 =	rddreg [dreg:$0x0]  }
0x2: {  	s0 =	rddreg [dreg:$0x1]  }
0x3: {  	s1 =	rddreg [dreg:$0x2]  }
0x4: {  	v0 =	vimm.s32 $0xEFCDAB89;
	v1 =	vimm.s32 $0x67452301;
	s2 =	rddreg [dreg:$0x3]  }
0x5: {  	v2 =	vimm.s32 $0xDCFE98BA;
	s6 =	rddreg [dreg:$0x4];
	s5 =	srdreg.scid;
	v3 =	vimm.s32 $0x54761032;
	v4 =	vimm.s32 $0xBA98FEDC  }
0x6: {  	s3 =	rddreg [dreg:$0x5];
	s4 =	stileid.u32;
	v5 =	vimm.s32 $0x32107654;
	v6 =	vimm.s32 $0xFEDCBA98;
	v7 =	vimm.s32 $0x76543210  }
0x7: {  	s12 =	simm.s32 $0x4100;
	s13 =	simm.s32 $0x40;
	s14 =	simm.s32 $0x80;
	vm0 =	vcmask $0x310;
	v0 =	vunpack.c.l.s4.s8 v0;
	v1 =	vunpack.c.l.s4.s8 v1  }
0x8: {  	s15 =	simm.s32 $0x2080;
	s16 =	simm.s32 $0x1;
	s17 =	simm.s32 $0x2;
	v2 =	vunpack.c.l.s4.s8 v2;
	v3 =	vunpack.c.l.s4.s8 v3;
	v4 =	vunpack.c.l.s4.s8 v4  }
0x9: {  	s18 =	simm.s32 $0x3;
	s19 =	simm.s32 $0x4;
	s20 =	simm.s32 $0x0;
	v5 =	vunpack.c.l.s4.s8 v5;
	v6 =	vunpack.c.l.s4.s8 v6;
	v0 =	vunpack.c.0.s8.s32 v0  }
0xa: {  	s8 =	sand.u32 $0x1, s5;
	s5 =	simm.s32 $0x0;
	s9 =	sshll.u32 s4, $0x8;
	v1 =	vunpack.c.0.s8.s32 v1;
	v2 =	vunpack.c.0.s8.s32 v2;
	v3 =	vunpack.c.0.s8.s32 v3  }
0xb: {  	v7 =	vunpack.c.l.s4.s8 v7;
	s10 =	sshll.u32 s8, $0x7;
	[smem:$0x7FF] =	sst s5;
	s8 =	ssub.s32 $0x2, s8;
	v4 =	vunpack.c.0.s8.s32 v4;
	v5 =	vunpack.c.0.s8.s32 v5  }
0xc: {  	s9 =	sor.u32 s10, s9;
	_ =	strace $0x80000047;
	s11 =	sshrl.u32 s8, $0x1;
	v0 =	vcombine.low v1, v0;
	v1 =	vcombine.low v3, v2;
	v2 =	vunpack.c.0.s8.s32 v6  }
0xd: {  	vm1 =	vcmask $0x710;
	s10 =	sshll.u32 s9, $0x4;
	s9 =	sshrl.u32 s9, $0x3;
	s31 =	ssub.s32 s8, s11;
	v3 =	vcombine.low v5, v4;
	v4 =	vunpack.c.0.s8.s32 v7  }
0xe: {  	vm2 =	vcmask $0xB10;
	s11 =	simm.s32 $0x4080;
	s6 =	sadd.s32 s6, s10;
	s7 =	sadd.s32 s7, s9;
	v0 =	vand.u32 $0xF, v0;
	v5 =	vand.u32 $0xF, v2  }
0xf: {  	s9 =	smax.u32 s31, $0x1;
	s10 =	simm.s32 $0x5;
	s8 =	sadd.s32 $0x400, s6;
	v1 =	vand.u32 $0xF, v1;
	v2 =	vand.u32 $0xF, v3;
	v3 =	vcombine.low v5, v4  }
.LBB2_1:
0x10: {  	[tilespmem:s5], [sflag:$0x5] =	stream.linear.gather [hbm4b:s7+s5], $0x80, $0x38;
	[tilespmem:$0x4180] =	vst v63  }
0x11: {  	_ =	swait.ge [sflag:s10], $0x80  }
0x12: {  	[sflag:s10] =	ssyncset.done $0x0  }
0x13: {  	[sflag:s10] =	ssyncadd.s32 $0xFFFFFF80  }
0x14: {  	[tilespmem:s11], [sflag:$0x5] =	stream.linear.gather [hbm4b:s1+s5], $0x80, $0x38;
	[tilespmem:$0x4180] =	vst v63  }
0x15: {  	_ =	swait.ge [sflag:s10], $0x80  }
0x16: {  	[sflag:s10] =	ssyncset.done $0x0  }
0x17: {  	[sflag:s10] =	ssyncadd.s32 $0xFFFFFF80  }
0x18: {  	[tilespmem:s12], [sflag:$0x5] =	stream.linear.gather [hbm4b:s2+s5], $0x80, $0x38;
	[tilespmem:$0x4180] =	vst v63  }
0x19: {  	_ =	swait.ge [sflag:s10], $0x80  }
0x1a: {  	[sflag:s10] =	ssyncset.done $0x0  }
0x1b: {  	[sflag:s10] =	ssyncadd.s32 $0xFFFFFF80  }
0x1c: {  	v8 =	vld [tilespmem:$0x4080]  }
0x1d: {  	v9 =	vld [tilespmem:$0x4090]  }
0x1e: {  	v10 =	vld [tilespmem:$0x40A0]  }
0x1f: {  	v11 =	vld [tilespmem:$0x40B0]  }
0x20: {  	v12 =	vld [tilespmem:$0x40C0]  }
0x21: {  	v13 =	vld [tilespmem:$0x40D0]  }
0x22: {  	v14 =	vld [tilespmem:$0x40E0]  }
0x23: {  	v15 =	vld [tilespmem:$0x40F0]  }
0x24: {  	v16 =	vld [tilespmem:$0x4100]  }
0x25: {  	v17 =	vld [tilespmem:$0x4110]  }
0x26: {  	v18 =	vld [tilespmem:$0x4120]  }
0x27: {  	v19 =	vld [tilespmem:$0x4130]  }
0x28: {  	v20 =	vld [tilespmem:$0x4140]  }
0x29: {  	v21 =	vld [tilespmem:$0x4150]  }
0x2a: {  	v22 =	vld [tilespmem:$0x4160]  }
0x2b: {  	v23 =	vld [tilespmem:$0x4170];
	[tilespmem:s14], [sflag:$0x1] =	stream.indirect.gather [hbm4b:s0+s13], $0x80, s5, s13, $0xb8  }
0x2c: {  	_ = 	snop  }
0x2d: {  	[tilespmem:s15], [sflag:$0x2] =	stream.indirect.gather [hbm4b:s0+s13], $0x80, s13, s13, $0xb8;
	[tilespmem:$0x4180] =	vst v63  }
0x2e: {  	_ =	swait.ge [sflag:s16], $0x2000  }
0x2f: {  	[sflag:s16] =	ssyncset.done $0x0  }
0x30: {  	s21 =	simm.s32 $0x0;
	[sflag:s16] =	ssyncadd.s32 $0xFFFFE000  }
.LBB2_2:
0x31: {  	s22 =	sshra.s32 s21, $0x2  }
0x32: {  	v42 =	vld [tilespmem:s22+$0x80]  }
0x33: {  	v43 =	vld [tilespmem:s22+$0x90];
	_ =	sdelay $0x1  }
0x34: {  	v38 =	vld [tilespmem:s22+$0xA0];
	_ =	sdelay $0x1  }
0x35: {  	v34 =	vld [tilespmem:s22+$0xB0]  }
0x36: {  	v24 =	vmul.f32 v42, v42;
	v25 =	vmul.f32 v43, v43  }
0x37: {  	v35 =	vld [tilespmem:s22+$0xC0]  }
0x38: {  	v26 =	vadd.f32 v43, v42;
	v44 =	vmul.f32 v38, v38;
	v24 =	vadd.f32 v25, v24  }
0x39: {  	v31 =	vld [tilespmem:s22+$0xD0]  }
0x3a: {  	v45 =	vmul.f32 v34, v34;
	v26 =	vadd.f32 v38, v26;
	v24 =	vadd.f32 v44, v24  }
0x3b: {  	v36 =	vld [tilespmem:s22+$0xE0]  }
0x3c: {  	v46 =	vmul.f32 v35, v35;
	v26 =	vadd.f32 v34, v26;
	v24 =	vadd.f32 v45, v24  }
0x3d: {  	v39 =	vld [tilespmem:s22+$0xF0]  }
0x3e: {  	v47 =	vmul.f32 v31, v31;
	v26 =	vadd.f32 v35, v26;
	v24 =	vadd.f32 v46, v24;
	_ =	sdelay $0x1  }
0x3f: {  	v48 =	vmul.f32 v36, v36;
	v26 =	vadd.f32 v31, v26;
	v24 =	vadd.f32 v47, v24  }
0x40: {  	v40 =	vld [tilespmem:s22+$0x100]  }
0x41: {  	v49 =	vmul.f32 v39, v39;
	v44 =	vld [tilespmem:s22+$0x110];
	v26 =	vadd.f32 v36, v26;
	v24 =	vadd.f32 v48, v24;
	_ =	sdelay $0x1  }
0x42: {  	v37 =	vld [tilespmem:s22+$0x120];
	v26 =	vadd.f32 v39, v26;
	v24 =	vadd.f32 v49, v24;
	_ =	sdelay $0x1  }
0x43: {  	v30 =	vld [tilespmem:s22+$0x130];
	v50 =	vperm.xlane v26, v0;
	v27 =	vperm.xlane v24, v0  }
0x44: {  	v28 =	vmul.f32 v40, v40;
	v29 =	vadd.f32 v44, v40;
	v32 =	vmul.f32 v44, v44  }
0x45: {  	v33 =	vld [tilespmem:s22+$0x140];
	v25 =	vadd.f32 v50, v26;
	v24 =	vadd.f32 v27, v24  }
0x46: {  	v53 =	vmul.f32 v37, v37;
	v51 =	vadd.f32 v32, v28;
	v52 =	vadd.f32 v37, v29  }
0x47: {  	v41 =	vld [tilespmem:s22+$0x150];
	v54 =	vperm.xlane v25, v1;
	v55 =	vperm.xlane v24, v1  }
0x48: {  	v56 =	vmul.f32 v30, v30;
	v46 =	vld [tilespmem:s22+$0x180];
	v26 =	vadd.f32 v53, v51;
	v27 =	vadd.f32 v30, v52  }
0x49: {  	v47 =	vld [tilespmem:s22+$0x160];
	v25 =	vadd.f32 v54, v25;
	v24 =	vadd.f32 v55, v24  }
0x4a: {  	v57 =	vmul.f32 v33, v33;
	v48 =	vld [tilespmem:s22+$0x190];
	v26 =	vadd.f32 v56, v26;
	v27 =	vadd.f32 v33, v27  }
0x4b: {  	v49 =	vld [tilespmem:s22+$0x170];
	v29 =	vperm.xlane v25, v2;
	v32 =	vperm.xlane v24, v2  }
0x4c: {  	v58 =	vmul.f32 v41, v41;
	v52 =	vld [tilespmem:s22+$0x1C0];
	v26 =	vadd.f32 v57, v26;
	v27 =	vadd.f32 v41, v27  }
0x4d: {  	v29 =	vadd.f32 v29, v25;
	v25 =	vld [tilespmem:s22+$0x210];
	v32 =	vadd.f32 v32, v24  }
0x4e: {  	v61 =	vmul.f32 v46, v46;
	v59 =	vmul.f32 v47, v47;
	v26 =	vadd.f32 v58, v26;
	v24 =	vld [tilespmem:s22+$0x200]  }
0x4f: {  	v50 =	vld [tilespmem:s22+$0x1A0];
	v62 =	vadd.f32 v48, v46;
	v27 =	vadd.f32 v47, v27;
	v51 =	vperm.xlane v32, v3  }
0x50: {  	v60 =	vmul.f32 v49, v49;
	v28 =	vadd.f32 v59, v26;
	v26 =	vld [tilespmem:s22+$0x220];
	v45 =	vperm.xlane v29, v3  }
0x51: {  	v63 =	vmul.f32 v48, v48;
	v56 =	vadd.f32 v49, v27;
	v58 =	vadd.f32 v51, v32;
	v51 =	vld [tilespmem:s22+$0x1B0]  }
0x52: {  	v5 =	vmul.f32 v52, v52;
	v59 =	vadd.f32 v60, v28;
	v27 =	vld [tilespmem:s22+$0x230];
	v57 =	vadd.f32 v45, v29  }
0x53: {  	v55 =	vmul.f32 v25, v25;
	v45 =	vmul.f32 v24, v24;
	v54 =	vadd.f32 v25, v24  }
0x54: {  	v28 =	vld [tilespmem:s22+$0x240];
	v29 =	vadd.f32 v50, v62;
	v32 =	vadd.f32 v63, v61;
	v61 =	vmul.f32 v50, v50  }
0x55: {  	v53 =	vld [tilespmem:s22+$0x1D0];
	v62 =	vmul.f32 v26, v26;
	v45 =	vadd.f32 v55, v45;
	v55 =	vadd.f32 v26, v54  }
0x56: {  	v32 =	vadd.f32 v61, v32;
	v61 =	vadd.f32 v51, v29;
	v63 =	vmul.f32 v51, v51;
	v29 =	vld [tilespmem:s22+$0x250]  }
0x57: {  	v4 =	vmul.f32 v27, v27;
	v54 =	vld [tilespmem:s22+$0x1E0];
	v45 =	vadd.f32 v62, v45;
	v62 =	vadd.f32 v27, v55  }
0x58: {  	v60 =	vperm.xlane v56, v0;
	v63 =	vadd.f32 v63, v32;
	v61 =	vadd.f32 v52, v61;
	v32 =	vld [tilespmem:s22+$0x260]  }
0x59: {  	v6 =	vmul.f32 v28, v28;
	v55 =	vld [tilespmem:s22+$0x1F0];
	v4 =	vadd.f32 v4, v45;
	v62 =	vadd.f32 v28, v62  }
0x5a: {  	v45 =	vld [tilespmem:s22+$0x270];
	v5 =	vadd.f32 v5, v63;
	v61 =	vadd.f32 v53, v61;
	v63 =	vmul.f32 v53, v53  }
0x5b: {  	v4 =	vadd.f32 v6, v4;
	v6 =	vadd.f32 v29, v62;
	v62 =	vmul.f32 v29, v29  }
0x5c: {  	v5 =	vadd.f32 v63, v5;
	v61 =	vadd.f32 v54, v61;
	v63 =	vmul.f32 v54, v54  }
0x5d: {  	v4 =	vadd.f32 v62, v4;
	v6 =	vadd.f32 v32, v6;
	v62 =	vmul.f32 v32, v32  }
0x5e: {  	v5 =	vadd.f32 v63, v5;
	v61 =	vadd.f32 v55, v61;
	v63 =	vmul.f32 v55, v55  }
0x5f: {  	v4 =	vadd.f32 v62, v4;
	v6 =	vadd.f32 v45, v6;
	v62 =	vmul.f32 v45, v45  }
0x60: {  	v7 =	vperm.xlane v59, v0;
	v5 =	vadd.f32 v63, v5;
	v63 =	vperm.xlane v61, v0  }
0x61: {  	v56 =	vadd.f32 v60, v56;
	v4 =	vadd.f32 v62, v4;
	v60 =	vperm.xlane v6, v0  }
0x62: {  	v7 =	vadd.f32 v7, v59;
	v59 =	vadd.f32 v63, v61;
	v61 =	vperm.xlane v5, v0  }
0x63: {  	v62 =	vperm.xlane v56, v1;
	v6 =	vadd.f32 v60, v6;
	v60 =	vperm.xlane v4, v0  }
0x64: {  	v63 =	vperm.xlane v7, v1;
	v5 =	vadd.f32 v61, v5;
	v61 =	vperm.xlane v59, v1  }
0x65: {  	v56 =	vadd.f32 v62, v56;
	v62 =	vperm.xlane v6, v1;
	v4 =	vadd.f32 v60, v4  }
0x66: {  	v7 =	vadd.f32 v63, v7;
	v59 =	vadd.f32 v61, v59;
	v60 =	vperm.xlane v5, v1  }
0x67: {  	v61 =	vperm.xlane v56, v2;
	v6 =	vadd.f32 v62, v6;
	v62 =	vperm.xlane v4, v1  }
0x68: {  	v63 =	vperm.xlane v7, v2;
	v5 =	vadd.f32 v60, v5;
	v60 =	vperm.xlane v59, v2  }
0x69: {  	v56 =	vadd.f32 v61, v56;
	v61 =	vperm.xlane v6, v2;
	v4 =	vadd.f32 v62, v4  }
0x6a: {  	v7 =	vadd.f32 v63, v7;
	v59 =	vadd.f32 v60, v59;
	v60 =	vperm.xlane v5, v2  }
0x6b: {  	v62 =	vperm.xlane v56, v3;
	v6 =	vadd.f32 v61, v6;
	v61 =	vperm.xlane v4, v2  }
0x6c: {  	v63 =	vperm.xlane v7, v3;
	v5 =	vadd.f32 v60, v5;
	v60 =	vperm.xlane v59, v3  }
0x6d: {  	v56 =	vadd.f32 v62, v56;
	v4 =	vadd.f32 v61, v4;
	v61 =	vperm.xlane v6, v3  }
0x6e: {  	v7 =	vadd.f32 v63, v7;
	v59 =	vadd.f32 v60, v59;
	v60 =	vperm.xlane v5, v3  }
0x6f: {  	v56 =	vsel vm0, v57, v56;
	v6 =	vadd.f32 v61, v6;
	v61 =	vperm.xlane v4, v3  }
0x70: {  	v5 =	vadd.f32 v60, v5;
	v56 =	vsel vm1, v56, v59  }
0x71: {  	v7 =	vsel vm0, v58, v7;
	v4 =	vadd.f32 v61, v4;
	v6 =	vsel vm2, v56, v6  }
0x72: {  	v5 =	vsel vm1, v7, v5;
	v6 =	vmul.f32 $7.812500000e-03, v6  }
0x73: {  	v4 =	vsel vm2, v5, v4  }
0x74: {  	v4 =	vmul.f32 $7.812500000e-03, v4;
	v5 =	vmul.f32 v6, v6;
	_ =	sdelay $0x1  }
0x75: {  	v4 =	vsub.f32 v4, v5;
	_ =	sdelay $0x1  }
0x76: {  	v4 =	vadd.f32 $9.999999740e-06, v4;
	_ =	sdelay $0x1  }
0x77: {  	v5 =	vshra.s32 v4, $0x1;
	v4 =	vmul.f32 $5.000000000e-01, v4  }
0x78: {  	v5 =	vsub.s32 $0x5F3759DF, v5  }
0x79: {  	v7 =	vmul.f32 v5, v4;
	_ =	sdelay $0x1  }
0x7a: {  	v7 =	vmul.f32 v5, v7;
	_ =	sdelay $0x1  }
0x7b: {  	v7 =	vsub.f32 $1.500000000e+00, v7;
	_ =	sdelay $0x1  }
0x7c: {  	v5 =	vmul.f32 v5, v7;
	_ =	sdelay $0x1  }
0x7d: {  	v63 =	vimm.s32 $0x1;
	v4 =	vmul.f32 v5, v4  }
0x7e: {  	v58 =	vperm.xlane v6, v63  }
0x7f: {  	v4 =	vmul.f32 v4, v5  }
0x80: {  	v40 =	vsub.f32 v40, v58  }
0x81: {  	v44 =	vsub.f32 v44, v58;
	v4 =	vsub.f32 $1.500000000e+00, v4  }
0x82: {  	v62 =	vimm.s32 $0x0;
	v37 =	vsub.f32 v37, v58;
	v30 =	vsub.f32 v30, v58  }
0x83: {  	v33 =	vsub.f32 v33, v58;
	v4 =	vmul.f32 v4, v5;
	v5 =	vperm.xlane v6, v62  }
0x84: {  	v41 =	vsub.f32 v41, v58;
	v47 =	vsub.f32 v47, v58  }
0x85: {  	v42 =	vsub.f32 v42, v5;
	v43 =	vsub.f32 v43, v5  }
0x86: {  	v59 =	vimm.s32 $0x2;
	v38 =	vsub.f32 v38, v5;
	v34 =	vsub.f32 v34, v5  }
0x87: {  	v7 =	vperm.xlane v4, v62;
	v35 =	vsub.f32 v35, v5;
	v31 =	vsub.f32 v31, v5  }
0x88: {  	v60 =	vperm.xlane v6, v59;
	v36 =	vsub.f32 v36, v5;
	v5 =	vsub.f32 v39, v5  }
0x89: {  	v39 =	vsub.f32 v49, v58;
	v58 =	vperm.xlane v4, v59;
	v42 =	vmul.f32 v7, v42  }
0x8a: {  	v52 =	vsub.f32 v52, v60;
	v43 =	vmul.f32 v7, v43;
	v38 =	vmul.f32 v7, v38  }
0x8b: {  	v62 =	vsub.f32 v46, v60;
	v34 =	vmul.f32 v7, v34;
	v35 =	vmul.f32 v7, v35  }
0x8c: {  	v46 =	vsub.f32 v51, v60;
	v31 =	vmul.f32 v7, v31;
	v36 =	vmul.f32 v7, v36  }
0x8d: {  	v56 =	vsub.f32 v53, v60;
	v5 =	vmul.f32 v7, v5;
	v7 =	vperm.xlane v4, v63  }
0x8e: {  	v49 =	vmul.f32 v58, v46;
	v51 =	vmul.f32 v58, v52  }
0x8f: {  	v52 =	vmul.f32 v58, v56;
	v42 =	vmul.f32 v42, v8  }
0x90: {  	v43 =	vmul.f32 v43, v9;
	v38 =	vmul.f32 v38, v10  }
0x91: {  	v34 =	vmul.f32 v34, v11;
	v35 =	vmul.f32 v35, v12  }
0x92: {  	v31 =	vmul.f32 v31, v13;
	v36 =	vmul.f32 v36, v14  }
0x93: {  	v57 =	vsub.f32 v54, v60;
	v40 =	vmul.f32 v7, v40;
	v5 =	vmul.f32 v5, v15  }
0x94: {  	v63 =	vsub.f32 v48, v60;
	v44 =	vmul.f32 v7, v44;
	v37 =	vmul.f32 v7, v37  }
0x95: {  	v30 =	vmul.f32 v7, v30;
	v33 =	vmul.f32 v7, v33;
	v42 =	vadd.f32 v42, v16  }
0x96: {  	v41 =	vmul.f32 v7, v41;
	v61 =	vmul.f32 v7, v47;
	v43 =	vadd.f32 v43, v17  }
0x97: {  	v7 =	vmul.f32 v7, v39;
	v38 =	vadd.f32 v38, v18;
	v34 =	vadd.f32 v34, v19;
	[tilespmem:s22+$0x80] =	vst v42  }
0x98: {  	v35 =	vadd.f32 v35, v20;
	v31 =	vadd.f32 v31, v21;
	v40 =	vmul.f32 v40, v8;
	[tilespmem:s22+$0x90] =	vst v43  }
0x99: {  	v36 =	vadd.f32 v36, v22;
	v44 =	vmul.f32 v44, v9;
	v37 =	vmul.f32 v37, v10;
	[tilespmem:s22+$0xA0] =	vst v38  }
0x9a: {  	v5 =	vadd.f32 v5, v23;
	v30 =	vmul.f32 v30, v11;
	v33 =	vmul.f32 v33, v12;
	[tilespmem:s22+$0xB0] =	vst v34  }
0x9b: {  	v59 =	vmul.f32 v41, v13;
	v40 =	vadd.f32 v40, v16;
	v44 =	vadd.f32 v44, v17;
	[tilespmem:s22+$0xC0] =	vst v35  }
0x9c: {  	v7 =	vmul.f32 v7, v15;
	v37 =	vadd.f32 v37, v18;
	v34 =	vsub.f32 v50, v60;
	[tilespmem:s22+$0xD0] =	vst v31  }
0x9d: {  	v42 =	vsub.f32 v55, v60;
	[tilespmem:s22+$0xE0] =	vst v36;
	v30 =	vadd.f32 v30, v19;
	v60 =	vmul.f32 v61, v14  }
0x9e: {  	[tilespmem:s22+$0xF0] =	vst v5;
	v5 =	vadd.f32 v33, v20;
	v61 =	vmul.f32 v58, v62;
	v62 =	vmul.f32 v58, v63  }
0x9f: {  	v63 =	vimm.s32 $0x3;
	v31 =	vmul.f32 v58, v57;
	v55 =	vmul.f32 v52, v13;
	[tilespmem:s22+$0x100] =	vst v40  }
0xa0: {  	v36 =	vadd.f32 v59, v21;
	v6 =	vperm.xlane v6, v63;
	v4 =	vperm.xlane v4, v63;
	[tilespmem:s22+$0x110] =	vst v44  }
0xa1: {  	v7 =	vadd.f32 v7, v23;
	v34 =	vmul.f32 v58, v34;
	v33 =	vmul.f32 v61, v8;
	[tilespmem:s22+$0x120] =	vst v37  }
0xa2: {  	v44 =	vadd.f32 v60, v22;
	v38 =	vmul.f32 v62, v9;
	[tilespmem:s22+$0x130] =	vst v30;
	v53 =	vmul.f32 v58, v42  }
0xa3: {  	[tilespmem:s22+$0x140] =	vst v5;
	v37 =	vmul.f32 v49, v11;
	v24 =	vsub.f32 v24, v6;
	v25 =	vsub.f32 v25, v6  }
0xa4: {  	[tilespmem:s22+$0x170] =	vst v7;
	v7 =	vmul.f32 v51, v12;
	v26 =	vsub.f32 v26, v6;
	v27 =	vsub.f32 v27, v6  }
0xa5: {  	[tilespmem:s22+$0x150] =	vst v36;
	v31 =	vmul.f32 v31, v14;
	v28 =	vsub.f32 v28, v6;
	v50 =	vadd.f32 v33, v16  }
0xa6: {  	v29 =	vsub.f32 v29, v6;
	v34 =	vmul.f32 v34, v10;
	v5 =	vadd.f32 v38, v17;
	[tilespmem:s22+$0x160] =	vst v44  }
0xa7: {  	v54 =	vsub.f32 v32, v6;
	v7 =	vadd.f32 v7, v20;
	v56 =	vmul.f32 v53, v15;
	[tilespmem:s22+$0x180] =	vst v50  }
0xa8: {  	v24 =	vmul.f32 v4, v24;
	v25 =	vmul.f32 v4, v25;
	v34 =	vadd.f32 v34, v18;
	[tilespmem:s22+$0x190] =	vst v5  }
0xa9: {  	v26 =	vmul.f32 v4, v26;
	v5 =	vsub.f32 v45, v6;
	v6 =	vadd.f32 v37, v19;
	[tilespmem:s22+$0x1C0] =	vst v7  }
0xaa: {  	v27 =	vmul.f32 v4, v27;
	v7 =	vadd.f32 v31, v22;
	v24 =	vmul.f32 v24, v8;
	[tilespmem:s22+$0x1A0] =	vst v34  }
0xab: {  	v58 =	vmul.f32 v4, v28;
	v60 =	vmul.f32 v4, v29;
	[tilespmem:s22+$0x1B0] =	vst v6;
	v6 =	vadd.f32 v55, v21  }
0xac: {  	v62 =	vmul.f32 v4, v54;
	v59 =	vmul.f32 v27, v11;
	[tilespmem:s22+$0x1E0] =	vst v7;
	v7 =	vadd.f32 v24, v16  }
0xad: {  	v25 =	vmul.f32 v25, v9;
	v4 =	vmul.f32 v4, v5;
	[tilespmem:s22+$0x1D0] =	vst v6;
	v6 =	vadd.f32 v56, v23  }
0xae: {  	v57 =	vmul.f32 v26, v10;
	v5 =	vadd.f32 v59, v19;
	[tilespmem:s22+$0x200] =	vst v7  }
0xaf: {  	v4 =	vmul.f32 v4, v15;
	[tilespmem:s22+$0x1F0] =	vst v6;
	v6 =	vadd.f32 v25, v17  }
0xb0: {  	v61 =	vmul.f32 v58, v12;
	v7 =	vadd.f32 v57, v18;
	[tilespmem:s22+$0x230] =	vst v5  }
0xb1: {  	p0 =	sne.s32 s21, $0x7800;
	v4 =	vadd.f32 v4, v23;
	[tilespmem:s22+$0x210] =	vst v6;
	v6 =	vmul.f32 v60, v13  }
.Ltmp0:
0xb2: {  	v63 =	vmul.f32 v62, v14;
	[tilespmem:s22+$0x220] =	vst v7;
	v7 =	vadd.f32 v61, v20;
	(pc) =	sbr.rel @p0 .LBB2_2-.Ltmp0, $4  }
0xb3: {  	[tilespmem:s22+$0x270] =	vst v4;
	v5 =	vadd.f32 v6, v21  }
0xb4: {  	[tilespmem:s22+$0x240] =	vst v7;
	v6 =	vadd.f32 v63, v22  }
0xb5: {  	[tilespmem:s22+$0x250] =	vst v5  }
0xb6: {  	s21 =	sadd.s32 $0x800, s21;
	[tilespmem:s22+$0x260] =	vst v6  }
0xb7: {  	s21 =	simm.s32 $0x0  }
0xb8: {  	[hbm4b:s6+s21] =	stream.linear.scatter [tilespmem:s14], [sflag:$0x3], $0x2000, $0x38;
	[tilespmem:$0x4180] =	vst v63  }
0xb9: {  	_ =	swait.ge [sflag:s17], $0x2000  }
0xba: {  	[sflag:s17] =	ssyncset.done $0x0  }
0xbb: {  	[sflag:s17] =	ssyncadd.s32 $0xFFFFE000  }
.LBB2_4:
0xbc: {  	s22 =	sshra.s32 s21, $0x2  }
0xbd: {  	v42 =	vld [tilespmem:s22+$0x2080]  }
0xbe: {  	v43 =	vld [tilespmem:s22+$0x2090];
	_ =	sdelay $0x1  }
0xbf: {  	v38 =	vld [tilespmem:s22+$0x20A0];
	_ =	sdelay $0x1  }
0xc0: {  	v34 =	vld [tilespmem:s22+$0x20B0]  }
0xc1: {  	v4 =	vmul.f32 v42, v42;
	v5 =	vmul.f32 v43, v43;
	v6 =	vadd.f32 v43, v42  }
0xc2: {  	v35 =	vld [tilespmem:s22+$0x20C0]  }
0xc3: {  	v4 =	vadd.f32 v5, v4;
	v5 =	vmul.f32 v38, v38;
	v6 =	vadd.f32 v38, v6  }
0xc4: {  	v31 =	vld [tilespmem:s22+$0x20D0]  }
0xc5: {  	v4 =	vadd.f32 v5, v4;
	v5 =	vmul.f32 v34, v34;
	v6 =	vadd.f32 v34, v6  }
0xc6: {  	v36 =	vld [tilespmem:s22+$0x20E0]  }
0xc7: {  	v4 =	vadd.f32 v5, v4;
	v5 =	vmul.f32 v35, v35;
	v6 =	vadd.f32 v35, v6  }
0xc8: {  	v39 =	vld [tilespmem:s22+$0x20F0]  }
0xc9: {  	v40 =	vld [tilespmem:s22+$0x2100];
	v4 =	vadd.f32 v5, v4;
	v5 =	vmul.f32 v31, v31;
	v6 =	vadd.f32 v31, v6  }
0xca: {  	v44 =	vld [tilespmem:s22+$0x2110]  }
0xcb: {  	v37 =	vld [tilespmem:s22+$0x2120];
	v4 =	vadd.f32 v5, v4;
	v5 =	vmul.f32 v36, v36;
	v6 =	vadd.f32 v36, v6  }
0xcc: {  	v30 =	vld [tilespmem:s22+$0x2130]  }
0xcd: {  	v33 =	vld [tilespmem:s22+$0x2140];
	v4 =	vadd.f32 v5, v4;
	v5 =	vmul.f32 v39, v39;
	v6 =	vadd.f32 v39, v6  }
0xce: {  	v41 =	vld [tilespmem:s22+$0x2150]  }
0xcf: {  	v47 =	vld [tilespmem:s22+$0x2160];
	v4 =	vadd.f32 v5, v4;
	v5 =	vperm.xlane v6, v0  }
0xd0: {  	v49 =	vld [tilespmem:s22+$0x2170];
	v24 =	vmul.f32 v40, v40;
	v25 =	vadd.f32 v44, v40;
	v26 =	vmul.f32 v44, v44  }
0xd1: {  	v46 =	vld [tilespmem:s22+$0x2180];
	v52 =	vmul.f32 v37, v37;
	v7 =	vperm.xlane v4, v0;
	v5 =	vadd.f32 v5, v6  }
0xd2: {  	v55 =	vmul.f32 v30, v30;
	v56 =	vmul.f32 v33, v33;
	v6 =	vadd.f32 v26, v24  }
0xd3: {  	v48 =	vld [tilespmem:s22+$0x2190];
	v4 =	vadd.f32 v7, v4;
	v7 =	vadd.f32 v37, v25;
	v53 =	vperm.xlane v5, v1  }
0xd4: {  	v57 =	vmul.f32 v41, v41;
	v58 =	vmul.f32 v47, v47;
	v6 =	vadd.f32 v52, v6  }
0xd5: {  	v50 =	vld [tilespmem:s22+$0x21A0];
	v54 =	vperm.xlane v4, v1;
	v7 =	vadd.f32 v30, v7;
	v5 =	vadd.f32 v53, v5  }
0xd6: {  	v29 =	vmul.f32 v49, v49;
	v59 =	vmul.f32 v46, v46;
	v6 =	vadd.f32 v55, v6  }
0xd7: {  	v24 =	vld [tilespmem:s22+$0x2200];
	v4 =	vadd.f32 v54, v4;
	v7 =	vadd.f32 v33, v7;
	v25 =	vperm.xlane v5, v2  }
0xd8: {  	v60 =	vadd.f32 v48, v46;
	v32 =	vmul.f32 v48, v48;
	v6 =	vadd.f32 v56, v6  }
0xd9: {  	v26 =	vperm.xlane v4, v2;
	v7 =	vadd.f32 v41, v7;
	v5 =	vadd.f32 v25, v5;
	v25 =	vld [tilespmem:s22+$0x2210]  }
0xda: {  	v51 =	vld [tilespmem:s22+$0x21B0];
	v32 =	vadd.f32 v32, v59;
	v6 =	vadd.f32 v57, v6;
	v57 =	vmul.f32 v50, v50  }
0xdb: {  	v4 =	vadd.f32 v26, v4;
	v7 =	vadd.f32 v47, v7;
	v27 =	vperm.xlane v5, v3;
	v26 =	vld [tilespmem:s22+$0x2220]  }
0xdc: {  	v45 =	vmul.f32 v24, v24;
	v6 =	vadd.f32 v58, v6;
	v32 =	vadd.f32 v57, v32  }
0xdd: {  	v28 =	vperm.xlane v4, v3;
	v7 =	vadd.f32 v49, v7;
	v5 =	vadd.f32 v27, v5;
	v27 =	vld [tilespmem:s22+$0x2230]  }
0xde: {  	v52 =	vld [tilespmem:s22+$0x21C0];
	v6 =	vadd.f32 v29, v6;
	v54 =	vadd.f32 v25, v24;
	v55 =	vmul.f32 v25, v25  }
0xdf: {  	v59 =	vmul.f32 v51, v51;
	v29 =	vadd.f32 v50, v60;
	v4 =	vadd.f32 v28, v4;
	v28 =	vld [tilespmem:s22+$0x2240]  }
0xe0: {  	v53 =	vld [tilespmem:s22+$0x21D0];
	v45 =	vadd.f32 v55, v45;
	v61 =	vadd.f32 v26, v54;
	v58 =	vmul.f32 v26, v26  }
0xe1: {  	v59 =	vadd.f32 v59, v32;
	v57 =	vadd.f32 v51, v29;
	v29 =	vld [tilespmem:s22+$0x2250]  }
0xe2: {  	v54 =	vld [tilespmem:s22+$0x21E0];
	v45 =	vadd.f32 v58, v45;
	v58 =	vadd.f32 v27, v61;
	v60 =	vmul.f32 v27, v27  }
0xe3: {  	v32 =	vld [tilespmem:s22+$0x2260];
	v56 =	vperm.xlane v7, v0;
	v57 =	vadd.f32 v52, v57;
	v61 =	vmul.f32 v52, v52  }
0xe4: {  	v55 =	vld [tilespmem:s22+$0x21F0];
	v60 =	vadd.f32 v60, v45;
	v58 =	vadd.f32 v28, v58;
	v62 =	vmul.f32 v28, v28  }
0xe5: {  	v57 =	vadd.f32 v53, v57;
	v59 =	vadd.f32 v61, v59;
	v61 =	vmul.f32 v53, v53;
	v45 =	vld [tilespmem:s22+$0x2270]  }
0xe6: {  	v60 =	vadd.f32 v62, v60;
	v58 =	vadd.f32 v29, v58;
	v62 =	vmul.f32 v29, v29  }
0xe7: {  	v57 =	vadd.f32 v54, v57;
	v59 =	vadd.f32 v61, v59;
	v61 =	vmul.f32 v54, v54  }
0xe8: {  	v60 =	vadd.f32 v62, v60;
	v58 =	vadd.f32 v32, v58;
	v62 =	vmul.f32 v32, v32  }
0xe9: {  	v57 =	vadd.f32 v55, v57;
	v59 =	vadd.f32 v61, v59;
	v61 =	vmul.f32 v55, v55  }
0xea: {  	v60 =	vadd.f32 v62, v60;
	v58 =	vadd.f32 v45, v58;
	v62 =	vmul.f32 v45, v45  }
0xeb: {  	v63 =	vperm.xlane v6, v0;
	v59 =	vadd.f32 v61, v59;
	v61 =	vperm.xlane v57, v0  }
0xec: {  	v7 =	vadd.f32 v56, v7;
	v56 =	vadd.f32 v62, v60;
	v60 =	vperm.xlane v58, v0  }
0xed: {  	v6 =	vadd.f32 v63, v6;
	v57 =	vadd.f32 v61, v57;
	v61 =	vperm.xlane v59, v0  }
0xee: {  	v62 =	vperm.xlane v7, v1;
	v58 =	vadd.f32 v60, v58;
	v60 =	vperm.xlane v56, v0  }
0xef: {  	v63 =	vperm.xlane v6, v1;
	v59 =	vadd.f32 v61, v59;
	v61 =	vperm.xlane v57, v1  }
0xf0: {  	v7 =	vadd.f32 v62, v7;
	v62 =	vperm.xlane v58, v1;
	v56 =	vadd.f32 v60, v56  }
0xf1: {  	v6 =	vadd.f32 v63, v6;
	v57 =	vadd.f32 v61, v57;
	v60 =	vperm.xlane v59, v1  }
0xf2: {  	v61 =	vperm.xlane v7, v2;
	v58 =	vadd.f32 v62, v58;
	v62 =	vperm.xlane v56, v1  }
0xf3: {  	v63 =	vperm.xlane v6, v2;
	v59 =	vadd.f32 v60, v59;
	v60 =	vperm.xlane v57, v2  }
0xf4: {  	v7 =	vadd.f32 v61, v7;
	v61 =	vperm.xlane v58, v2;
	v56 =	vadd.f32 v62, v56  }
0xf5: {  	v6 =	vadd.f32 v63, v6;
	v57 =	vadd.f32 v60, v57;
	v60 =	vperm.xlane v59, v2  }
0xf6: {  	v62 =	vperm.xlane v7, v3;
	v58 =	vadd.f32 v61, v58;
	v61 =	vperm.xlane v56, v2  }
0xf7: {  	v63 =	vperm.xlane v6, v3;
	v59 =	vadd.f32 v60, v59;
	v60 =	vperm.xlane v57, v3  }
0xf8: {  	v7 =	vadd.f32 v62, v7;
	v56 =	vadd.f32 v61, v56;
	v61 =	vperm.xlane v58, v3  }
0xf9: {  	v6 =	vadd.f32 v63, v6;
	v57 =	vadd.f32 v60, v57;
	v60 =	vperm.xlane v59, v3  }
0xfa: {  	v5 =	vsel vm0, v5, v7;
	v58 =	vadd.f32 v61, v58;
	v7 =	vperm.xlane v56, v3  }
0xfb: {  	v59 =	vadd.f32 v60, v59;
	v5 =	vsel vm1, v5, v57  }
0xfc: {  	v4 =	vsel vm0, v4, v6;
	v7 =	vadd.f32 v7, v56;
	v5 =	vsel vm2, v5, v58  }
0xfd: {  	v4 =	vsel vm1, v4, v59;
	v5 =	vmul.f32 $7.812500000e-03, v5  }
0xfe: {  	v4 =	vsel vm2, v4, v7  }
0xff: {  	v4 =	vmul.f32 $7.812500000e-03, v4;
	v6 =	vmul.f32 v5, v5;
	_ =	sdelay $0x1  }
0x100: {  	v4 =	vsub.f32 v4, v6;
	_ =	sdelay $0x1  }
0x101: {  	v4 =	vadd.f32 $9.999999740e-06, v4;
	_ =	sdelay $0x1  }
0x102: {  	v6 =	vshra.s32 v4, $0x1;
	v4 =	vmul.f32 $5.000000000e-01, v4  }
0x103: {  	v6 =	vsub.s32 $0x5F3759DF, v6  }
0x104: {  	v7 =	vmul.f32 v6, v4;
	_ =	sdelay $0x1  }
0x105: {  	v7 =	vmul.f32 v6, v7;
	_ =	sdelay $0x1  }
0x106: {  	v7 =	vsub.f32 $1.500000000e+00, v7;
	_ =	sdelay $0x1  }
0x107: {  	v6 =	vmul.f32 v6, v7;
	_ =	sdelay $0x1  }
0x108: {  	v63 =	vimm.s32 $0x1;
	v4 =	vmul.f32 v6, v4  }
0x109: {  	v58 =	vperm.xlane v5, v63  }
0x10a: {  	v4 =	vmul.f32 v4, v6  }
0x10b: {  	v40 =	vsub.f32 v40, v58  }
0x10c: {  	v44 =	vsub.f32 v44, v58;
	v4 =	vsub.f32 $1.500000000e+00, v4  }
0x10d: {  	v62 =	vimm.s32 $0x0;
	v37 =	vsub.f32 v37, v58;
	v30 =	vsub.f32 v30, v58  }
0x10e: {  	v33 =	vsub.f32 v33, v58;
	v4 =	vmul.f32 v4, v6;
	v6 =	vperm.xlane v5, v62  }
0x10f: {  	v41 =	vsub.f32 v41, v58;
	v47 =	vsub.f32 v47, v58  }
0x110: {  	v42 =	vsub.f32 v42, v6;
	v43 =	vsub.f32 v43, v6  }
0x111: {  	v59 =	vimm.s32 $0x2;
	v38 =	vsub.f32 v38, v6;
	v34 =	vsub.f32 v34, v6  }
0x112: {  	v7 =	vperm.xlane v4, v62;
	v35 =	vsub.f32 v35, v6;
	v31 =	vsub.f32 v31, v6  }
0x113: {  	v60 =	vperm.xlane v5, v59;
	v36 =	vsub.f32 v36, v6;
	v6 =	vsub.f32 v39, v6  }
0x114: {  	v39 =	vsub.f32 v49, v58;
	v58 =	vperm.xlane v4, v59;
	v42 =	vmul.f32 v7, v42  }
0x115: {  	v52 =	vsub.f32 v52, v60;
	v43 =	vmul.f32 v7, v43;
	v38 =	vmul.f32 v7, v38  }
0x116: {  	v62 =	vsub.f32 v46, v60;
	v34 =	vmul.f32 v7, v34;
	v35 =	vmul.f32 v7, v35  }
0x117: {  	v46 =	vsub.f32 v51, v60;
	v31 =	vmul.f32 v7, v31;
	v36 =	vmul.f32 v7, v36  }
0x118: {  	v56 =	vsub.f32 v53, v60;
	v6 =	vmul.f32 v7, v6;
	v7 =	vperm.xlane v4, v63  }
0x119: {  	v49 =	vmul.f32 v58, v46;
	v51 =	vmul.f32 v58, v52  }
0x11a: {  	v52 =	vmul.f32 v58, v56;
	v42 =	vmul.f32 v42, v8  }
0x11b: {  	v43 =	vmul.f32 v43, v9;
	v38 =	vmul.f32 v38, v10  }
0x11c: {  	v34 =	vmul.f32 v34, v11;
	v35 =	vmul.f32 v35, v12  }
0x11d: {  	v31 =	vmul.f32 v31, v13;
	v36 =	vmul.f32 v36, v14  }
0x11e: {  	v57 =	vsub.f32 v54, v60;
	v40 =	vmul.f32 v7, v40;
	v6 =	vmul.f32 v6, v15  }
0x11f: {  	v63 =	vsub.f32 v48, v60;
	v44 =	vmul.f32 v7, v44;
	v37 =	vmul.f32 v7, v37  }
0x120: {  	v30 =	vmul.f32 v7, v30;
	v33 =	vmul.f32 v7, v33;
	v42 =	vadd.f32 v42, v16  }
0x121: {  	v41 =	vmul.f32 v7, v41;
	v61 =	vmul.f32 v7, v47;
	v43 =	vadd.f32 v43, v17  }
0x122: {  	v7 =	vmul.f32 v7, v39;
	v38 =	vadd.f32 v38, v18;
	v34 =	vadd.f32 v34, v19;
	[tilespmem:s22+$0x2080] =	vst v42  }
0x123: {  	v35 =	vadd.f32 v35, v20;
	v31 =	vadd.f32 v31, v21;
	v40 =	vmul.f32 v40, v8;
	[tilespmem:s22+$0x2090] =	vst v43  }
0x124: {  	v36 =	vadd.f32 v36, v22;
	v44 =	vmul.f32 v44, v9;
	v37 =	vmul.f32 v37, v10;
	[tilespmem:s22+$0x20A0] =	vst v38  }
0x125: {  	v6 =	vadd.f32 v6, v23;
	v30 =	vmul.f32 v30, v11;
	v33 =	vmul.f32 v33, v12;
	[tilespmem:s22+$0x20B0] =	vst v34  }
0x126: {  	v59 =	vmul.f32 v41, v13;
	v40 =	vadd.f32 v40, v16;
	v44 =	vadd.f32 v44, v17;
	[tilespmem:s22+$0x20C0] =	vst v35  }
0x127: {  	v7 =	vmul.f32 v7, v15;
	v37 =	vadd.f32 v37, v18;
	v34 =	vsub.f32 v50, v60;
	[tilespmem:s22+$0x20D0] =	vst v31  }
0x128: {  	v42 =	vsub.f32 v55, v60;
	[tilespmem:s22+$0x20E0] =	vst v36;
	v30 =	vadd.f32 v30, v19;
	v60 =	vmul.f32 v61, v14  }
0x129: {  	[tilespmem:s22+$0x20F0] =	vst v6;
	v6 =	vadd.f32 v33, v20;
	v61 =	vmul.f32 v58, v62;
	v62 =	vmul.f32 v58, v63  }
0x12a: {  	v63 =	vimm.s32 $0x3;
	v36 =	vadd.f32 v59, v21;
	v31 =	vmul.f32 v58, v57;
	[tilespmem:s22+$0x2100] =	vst v40  }
0x12b: {  	v7 =	vadd.f32 v7, v23;
	v55 =	vmul.f32 v52, v13;
	v5 =	vperm.xlane v5, v63;
	[tilespmem:s22+$0x2110] =	vst v44  }
0x12c: {  	v4 =	vperm.xlane v4, v63;
	v34 =	vmul.f32 v58, v34;
	v44 =	vadd.f32 v60, v22;
	[tilespmem:s22+$0x2120] =	vst v37  }
0x12d: {  	v33 =	vmul.f32 v61, v8;
	v38 =	vmul.f32 v62, v9;
	[tilespmem:s22+$0x2130] =	vst v30;
	v24 =	vsub.f32 v24, v5  }
0x12e: {  	[tilespmem:s22+$0x2140] =	vst v6;
	v53 =	vmul.f32 v58, v42;
	v25 =	vsub.f32 v25, v5;
	v26 =	vsub.f32 v26, v5  }
0x12f: {  	[tilespmem:s22+$0x2150] =	vst v36;
	v37 =	vmul.f32 v49, v11;
	v27 =	vsub.f32 v27, v5;
	v28 =	vsub.f32 v28, v5  }
0x130: {  	[tilespmem:s22+$0x2170] =	vst v7;
	v7 =	vmul.f32 v51, v12;
	v29 =	vsub.f32 v29, v5;
	v50 =	vadd.f32 v33, v16  }
0x131: {  	v54 =	vsub.f32 v32, v5;
	v34 =	vmul.f32 v34, v10;
	v6 =	vadd.f32 v38, v17;
	[tilespmem:s22+$0x2160] =	vst v44  }
0x132: {  	v31 =	vmul.f32 v31, v14;
	v5 =	vsub.f32 v45, v5;
	v7 =	vadd.f32 v7, v20;
	[tilespmem:s22+$0x2180] =	vst v50  }
0x133: {  	v56 =	vmul.f32 v53, v15;
	v24 =	vmul.f32 v4, v24;
	v34 =	vadd.f32 v34, v18;
	[tilespmem:s22+$0x2190] =	vst v6  }
0x134: {  	v25 =	vmul.f32 v4, v25;
	v26 =	vmul.f32 v4, v26;
	v6 =	vadd.f32 v37, v19;
	[tilespmem:s22+$0x21C0] =	vst v7  }
0x135: {  	v27 =	vmul.f32 v4, v27;
	v7 =	vadd.f32 v31, v22;
	v24 =	vmul.f32 v24, v8;
	[tilespmem:s22+$0x21A0] =	vst v34  }
0x136: {  	v58 =	vmul.f32 v4, v28;
	v60 =	vmul.f32 v4, v29;
	[tilespmem:s22+$0x21B0] =	vst v6;
	v6 =	vadd.f32 v55, v21  }
0x137: {  	v62 =	vmul.f32 v4, v54;
	v59 =	vmul.f32 v27, v11;
	[tilespmem:s22+$0x21E0] =	vst v7;
	v7 =	vadd.f32 v24, v16  }
0x138: {  	v4 =	vmul.f32 v4, v5;
	v25 =	vmul.f32 v25, v9;
	[tilespmem:s22+$0x21D0] =	vst v6;
	v6 =	vadd.f32 v56, v23  }
0x139: {  	v57 =	vmul.f32 v26, v10;
	v5 =	vadd.f32 v59, v19;
	[tilespmem:s22+$0x2200] =	vst v7  }
0x13a: {  	v4 =	vmul.f32 v4, v15;
	[tilespmem:s22+$0x21F0] =	vst v6;
	v6 =	vadd.f32 v25, v17  }
0x13b: {  	v61 =	vmul.f32 v58, v12;
	v7 =	vadd.f32 v57, v18;
	[tilespmem:s22+$0x2230] =	vst v5  }
0x13c: {  	p0 =	sne.s32 s21, $0x7800;
	v4 =	vadd.f32 v4, v23;
	[tilespmem:s22+$0x2210] =	vst v6;
	v6 =	vmul.f32 v60, v13  }
.Ltmp1:
0x13d: {  	v63 =	vmul.f32 v62, v14;
	[tilespmem:s22+$0x2220] =	vst v7;
	v7 =	vadd.f32 v61, v20;
	(pc) =	sbr.rel @p0 .LBB2_4-.Ltmp1, $4  }
0x13e: {  	[tilespmem:s22+$0x2270] =	vst v4;
	v5 =	vadd.f32 v6, v21  }
0x13f: {  	[tilespmem:s22+$0x2240] =	vst v7;
	v6 =	vadd.f32 v63, v22  }
0x140: {  	[tilespmem:s22+$0x2250] =	vst v5  }
0x141: {  	s21 =	sadd.s32 $0x800, s21;
	[tilespmem:s22+$0x2260] =	vst v6  }
0x142: {  	[hbm4b:s8+s5] =	stream.linear.scatter [tilespmem:s15], [sflag:$0x4], $0x2000, $0x38;
	[tilespmem:$0x4180] =	vst v63  }
0x143: {  	s20 =	sadd.s32 $0x1, s20  }
0x144: {  	_ =	swait.ge [sflag:s18], $0x2000;
	p0 =	sne.s32 s20, s9  }
.Ltmp2:
0x145: {  	[sflag:s18] =	ssyncset.done $0x0;
	(pc) =	sbr.rel @p0 .LBB2_1-.Ltmp2, $4  }
0x146: {  	[sflag:s18] =	ssyncadd.s32 $0xFFFFE000  }
0x147: {  	_ =	swait.ge [sflag:s19], $0x2000  }
0x148: {  	[sflag:s19] =	ssyncset.done $0x0  }
0x149: {  	[sflag:s19] =	ssyncadd.s32 $0xFFFFE000  }
0x14a: {  	_ =	sfence.sel $0x180000  }
0x14b: {  	[bflag:$0x0] =	sbarrier.arrive $0xFFFF  }
0x14c: {  	p0 =	sne.s32 s4, $0x0;
	_ =	strace $0x90000047  }
0x14d: {  	s0 =	sadd.s32 @!p0 $0x100000, s3;
	[bflag:$0x2] =	sbarrier.arrive $0xFFFF  }
0x14e: {  	[sflag:s0] =	ssyncadd.tile.s32 @!p0 $0x1;
	_ =	shalt  }
.Lfunc_end2:
_tile_overlayer_lowered:
.L_overlay_start_2:
0x14f: {  	(tag) =	ssettag $0x2  }
0x150: {  	s0 =	rddreg [dreg:$0x0];
	s2 =	stileid.u32  }
0x151: {  	s1 =	rddreg [dreg:$0x1];
	p0 =	sne.s32 s2, $0x0  }
0x152: {  	s3 =	rddreg [dreg:$0x2];
	[bflag:$0x3] =	sbarrier.arrive $0xFFFF;
	s2 =	simm.s32 @!p0 $0x1C05  }
0x153: {  	[timem:s3], [sflag:s2] =	dma.local @!p0 [hbm:s0], s1  }
0x154: {  	s0 =	simm.s32 @!p0 $0x5  }
0x155: {  	_ =	swait.ge @!p0 [sflag:s0], s1  }
0x156: {  	s1 =	ssub.s32 @!p0 $0x0, s1;
	[sflag:s0] =	ssyncset.done @!p0 $0x0  }
0x157: {  	[sflag:s0] =	ssyncadd.s32 @!p0 s1  }
0x158: {  	[bflag:$0x3] =	sbarrier.arrive $0xFFFF  }
0x159: {  	_ =	shalt  }

</sc_bundles>
